<compile_context>
chip_gen: v7x
topology: tpu7x:2x2x1
jax: 0.10.2.dev20260603
libtpu: 0.0.44.dev20260713+nightly
codegen_flags: <defaults>
</compile_context>

<pallas_src>
import jax
import jax.numpy as jnp
from jax import lax
from jax.experimental import pallas as pl
from jax.experimental.pallas import tpu as pltpu
from jax.experimental.pallas import tpu_sc as plsc

M = 64
N = 4096
B = 2
F = 2048

NWORK = 32
NCOL = N // NWORK
RCH = 8


def _gate_kernel(u_ref, w_ref, l_ref, el_ref, loss_ref, srep_ref):
    logits = l_ref[...]
    p = jax.nn.sigmoid(logits)
    b = (u_ref[...] < p).astype(jnp.float32)
    scale = jnp.sum(w_ref[...] * b, axis=0)
    log_prob = b * jax.nn.log_sigmoid(logits) + (1.0 - b) * jax.nn.log_sigmoid(-logits)
    loss_ref[...] = el_ref[...] + jnp.sum(log_prob, axis=0, keepdims=True)
    srep_ref[...] = jnp.broadcast_to(scale[:, None], (N, 16))


NCH = B * (NCOL // RCH)


def _sc_combine(x_hbm, srep_hbm, out_hbm, srep_v, xb0, xb1, ob0, ob1,
                sem_srep, si0, si1, so0, so1):
    wid = lax.axis_index("s") * 2 + lax.axis_index("c")
    n0 = wid * NCOL
    pltpu.async_copy(srep_hbm.at[pl.ds(n0, NCOL), :], srep_v, sem_srep)

    def src_of(g):
        bb = g // (NCOL // RCH)
        cc = g % (NCOL // RCH)
        row0 = bb * N + n0 + cc * RCH
        return x_hbm.at[pl.ds(row0, RCH), :]

    def dst_of(g):
        bb = g // (NCOL // RCH)
        cc = g % (NCOL // RCH)
        row0 = bb * N + n0 + cc * RCH
        return out_hbm.at[pl.ds(row0, RCH), :]

    pltpu.async_copy(src_of(0), xb0, si0)
    pltpu.async_copy(src_of(1), xb1, si1)
    pltpu.make_async_copy(srep_hbm.at[pl.ds(n0, NCOL), :], srep_v, sem_srep).wait()

    def compute(xbuf, obuf, g):
        cc = g % (NCOL // RCH)
        svs = [srep_v[cc * RCH + j, :] for j in range(RCH)]

        @plsc.parallel_loop(0, F // 16, 1, unroll=2)
        def col_body(c):
            for j in range(RCH):
                obuf[j, pl.ds(c * 16, 16)] = xbuf[j, pl.ds(c * 16, 16)] * svs[j]

    def step(s, _):
        for (xb, ob, si, so, off) in ((xb0, ob0, si0, so0, 0),
                                      (xb1, ob1, si1, so1, 1)):
            g = 2 * s + off
            pltpu.make_async_copy(src_of(g), xb, si).wait()

            @pl.when(s > 0)
            def _():
                pltpu.make_async_copy(ob, dst_of(g - 2), so).wait()

            compute(xb, ob, g)

            @pl.when(s < NCH // 2 - 1)
            def _():
                pltpu.async_copy(src_of(g + 2), xb, si)

            pltpu.async_copy(ob, dst_of(g), so)
        return 0

    lax.fori_loop(0, NCH // 2, step, 0)
    pltpu.make_async_copy(ob0, dst_of(NCH - 2), so0).wait()
    pltpu.make_async_copy(ob1, dst_of(NCH - 1), so1).wait()


def kernel(x, extra_loss, weights, logits):
    u = jax.random.uniform(jax.random.key(42), (M, N), jnp.float32)
    el2d = extra_loss.reshape(1, N)

    loss, srep = pl.pallas_call(
        _gate_kernel,
        out_shape=[
            jax.ShapeDtypeStruct((1, N), jnp.float32),
            jax.ShapeDtypeStruct((N, 16), jnp.float32),
        ],
    )(u, weights, logits, el2d)

    x2 = x.reshape(B * N, F)
    mesh = plsc.VectorSubcoreMesh(core_axis_name="c", subcore_axis_name="s")
    out2 = pl.kernel(
        _sc_combine,
        out_type=jax.ShapeDtypeStruct((B * N, F), jnp.float32),
        mesh=mesh,
        scratch_types=[
            pltpu.VMEM((NCOL, 16), jnp.float32),
            pltpu.VMEM((RCH, F), jnp.float32),
            pltpu.VMEM((RCH, F), jnp.float32),
            pltpu.VMEM((RCH, F), jnp.float32),
            pltpu.VMEM((RCH, F), jnp.float32),
            pltpu.SemaphoreType.DMA,
            pltpu.SemaphoreType.DMA,
            pltpu.SemaphoreType.DMA,
            pltpu.SemaphoreType.DMA,
            pltpu.SemaphoreType.DMA,
        ],
    )(x2, srep)

    return out2.reshape(B, N, F), loss.reshape(N)

# --- scband reference (transcript-rebuilt; emitter-appended) ---
"""Pipeline reference for scband-gating-79706003079551 (READ-ONLY COPY).

The authoritative reference and input builder live on the scoring server;
editing this copy changes nothing except your own understanding.
"""

import jax, jax.numpy as jnp
import numpy as np

M = 64
N = 4096
B = 2
F = 2048


def setup_inputs(seed: int = 0) -> dict:
    key = jax.random.key(seed)
    k1, k2, k3, k4 = jax.random.split(key, 4)
    x = jax.random.normal(k1, (B, N, F), dtype=jnp.float32)
    extra_loss = jax.random.normal(k2, (N,), dtype=jnp.float32)
    # learned parameters (original uses zeros init; small randn used so the
    # reference output is non-degenerate for numerical comparison)
    weights = jax.random.normal(k3, (M, N), dtype=jnp.float32) * 0.02
    logits = jax.random.normal(k4, (M, N), dtype=jnp.float32) * 0.02
    return {"x": x, "extra_loss": extra_loss, "weights": weights, "logits": logits}


def reference(x, extra_loss, weights, logits):
    # Bernoulli sample with a fixed key for determinism (tfp.distributions.Bernoulli(logits=...).sample())
    key = jax.random.key(42)
    p = jax.nn.sigmoid(logits)
    b = jax.random.bernoulli(key, p).astype(jnp.float32)  # (M, N)
    w = weights * b
    # Bernoulli log_prob(b) under the logits parameterization
    log_prob = b * jax.nn.log_sigmoid(logits) + (1.0 - b) * jax.nn.log_sigmoid(-logits)
    logits_loss = jnp.sum(log_prob, axis=0)  # reduce over axis 0 -> (N,)
    # einsum 'mn,bnf->bnf': sum over expert dim m of gated weights times x
    output = jnp.einsum('mn,bnf->bnf', w, x)
    return output, extra_loss + logits_loss

if __name__ == "__main__":
    import jax
    _d = setup_inputs()
    print(jax.jit(kernel)(*tuple(_d.values())))

</pallas_src>

<mosaic_0001>
#map = affine_map<(d0, d1) -> (0, 0)>
module attributes {stable_mosaic.version = 14 : i64} {
  func.func @_sc_combine(%arg0: i32, %arg1: i32, %arg2: memref<8192x2048xf32, #tpu.memory_space<hbm>>, %arg3: memref<4096x16xf32, #tpu.memory_space<hbm>>, %arg4: memref<8192x2048xf32, #tpu.memory_space<hbm>>, %arg5: memref<128x16xf32, #tpu.memory_space<vmem>>, %arg6: memref<8x2048xf32, #tpu.memory_space<vmem>>, %arg7: memref<8x2048xf32, #tpu.memory_space<vmem>>, %arg8: memref<8x2048xf32, #tpu.memory_space<vmem>>, %arg9: memref<8x2048xf32, #tpu.memory_space<vmem>>, %arg10: memref<!tpu.dma_semaphore, #tpu.memory_space<semaphore_mem>>, %arg11: memref<!tpu.dma_semaphore, #tpu.memory_space<semaphore_mem>>, %arg12: memref<!tpu.dma_semaphore, #tpu.memory_space<semaphore_mem>>, %arg13: memref<!tpu.dma_semaphore, #tpu.memory_space<semaphore_mem>>, %arg14: memref<!tpu.dma_semaphore, #tpu.memory_space<semaphore_mem>>) attributes {dimension_semantics = [#tpu.dimension_semantics<core_parallel>, #tpu.dimension_semantics<subcore_parallel>], iteration_bounds = array<i64: 2, 16>, scalar_prefetch = 0 : i64, scratch_operands = 10 : i64, tpu.core_type = #tpu.core_type<sc_vector_subcore>, window_params = [{transform_indices = #map}, {transform_indices = #map}, {transform_indices = #map}]} {
    %mul3A = arith.constant 2 : i32
    %mul3A_0 = arith.muli %arg1, %mul3A : i32
    %add3A = arith.addi %mul3A_0, %arg0 : i32
    %mul3A_1 = arith.constant 128 : i32
    %mul3A_2 = arith.muli %add3A, %mul3A_1 : i32
    %dma_start3A = arith.constant 0 : i32
    %dma_start3A_3 = tpu.memref_slice %arg3[%mul3A_2, %dma_start3A] : memref<4096x16xf32, #tpu.memory_space<hbm>> -> memref<128x16xf32, #tpu.memory_space<hbm>>
    %dma_start3A_4 = arith.constant 0 : i32
    %dma_start3A_5 = tpu.memref_slice %arg3[%mul3A_2, %dma_start3A_4] : memref<4096x16xf32, #tpu.memory_space<hbm>> -> memref<128x16xf32, #tpu.memory_space<hbm>>
    tpu.enqueue_dma source(%dma_start3A_5 : memref<128x16xf32, #tpu.memory_space<hbm>>) target(%arg5 : memref<128x16xf32, #tpu.memory_space<vmem>>) target_semaphore(%arg10 : memref<!tpu.dma_semaphore, #tpu.memory_space<semaphore_mem>>)
    %add3A_6 = arith.constant 0 : i32
    %add3A_7 = arith.addi %add3A_6, %mul3A_2 : i32
    %add3A_8 = arith.constant 0 : i32
    %add3A_9 = arith.addi %add3A_7, %add3A_8 : i32
    %dma_start3A_10 = arith.constant 0 : i32
    %dma_start3A_11 = tpu.memref_slice %arg2[%add3A_9, %dma_start3A_10] : memref<8192x2048xf32, #tpu.memory_space<hbm>> -> memref<8x2048xf32, #tpu.memory_space<hbm>>
    %dma_start3A_12 = arith.constant 0 : i32
    %dma_start3A_13 = tpu.memref_slice %arg2[%add3A_9, %dma_start3A_12] : memref<8192x2048xf32, #tpu.memory_space<hbm>> -> memref<8x2048xf32, #tpu.memory_space<hbm>>
    tpu.enqueue_dma source(%dma_start3A_13 : memref<8x2048xf32, #tpu.memory_space<hbm>>) target(%arg6 : memref<8x2048xf32, #tpu.memory_space<vmem>>) target_semaphore(%arg11 : memref<!tpu.dma_semaphore, #tpu.memory_space<semaphore_mem>>)
    %add3A_14 = arith.constant 0 : i32
    %add3A_15 = arith.addi %add3A_14, %mul3A_2 : i32
    %add3A_16 = arith.constant 8 : i32
    %add3A_17 = arith.addi %add3A_15, %add3A_16 : i32
    %dma_start3A_18 = arith.constant 0 : i32
    %dma_start3A_19 = tpu.memref_slice %arg2[%add3A_17, %dma_start3A_18] : memref<8192x2048xf32, #tpu.memory_space<hbm>> -> memref<8x2048xf32, #tpu.memory_space<hbm>>
    %dma_start3A_20 = arith.constant 0 : i32
    %dma_start3A_21 = tpu.memref_slice %arg2[%add3A_17, %dma_start3A_20] : memref<8192x2048xf32, #tpu.memory_space<hbm>> -> memref<8x2048xf32, #tpu.memory_space<hbm>>
    tpu.enqueue_dma source(%dma_start3A_21 : memref<8x2048xf32, #tpu.memory_space<hbm>>) target(%arg7 : memref<8x2048xf32, #tpu.memory_space<vmem>>) target_semaphore(%arg12 : memref<!tpu.dma_semaphore, #tpu.memory_space<semaphore_mem>>)
    %dma_wait3A = arith.constant 0 : i32
    %dma_wait3A_22 = tpu.memref_slice %arg3[%mul3A_2, %dma_wait3A] : memref<4096x16xf32, #tpu.memory_space<hbm>> -> memref<128x16xf32, #tpu.memory_space<hbm>>
    %dma_wait3A_23 = arith.constant 0 : i32
    %dma_wait3A_24 = tpu.memref_slice %arg3[%mul3A_2, %dma_wait3A_23] : memref<4096x16xf32, #tpu.memory_space<hbm>> -> memref<128x16xf32, #tpu.memory_space<hbm>>
    tpu.wait_dma2 semaphore(%arg10 : memref<!tpu.dma_semaphore, #tpu.memory_space<semaphore_mem>>) src(%dma_wait3A_24 : memref<128x16xf32, #tpu.memory_space<hbm>>) dst(%arg5 : memref<128x16xf32, #tpu.memory_space<vmem>>)
    %scan3A = arith.constant 0 : i32
    %scan3A_25 = arith.constant 0 : i32
    %scan3A_26 = arith.constant 16 : i32
    %scan3A_27 = arith.addi %scan3A_25, %scan3A_26 : i32
    %scan3A_28 = arith.constant 1 : i32
    %scan3A_29 = scf.for %scan3A_47 = %scan3A_25 to %scan3A_27 step %scan3A_28 iter_args(%scan3A_48 = %scan3A) -> (i32)  : i32 {
      %mul3A_49 = arith.constant 2 : i32
      %mul3A_50 = arith.muli %mul3A_49, %scan3A_47 : i32
      %add3A_51 = arith.constant 0 : i32
      %add3A_52 = arith.addi %mul3A_50, %add3A_51 : i32
      %jit3A = arith.constant 16 : i32
      %div3A = arith.divsi %add3A_52, %jit3A : i32
      %sign3A = arith.constant 0 : i32
      %sign3A_53 = arith.cmpi sgt, %add3A_52, %sign3A : i32
      %sign3A_54 = arith.extui %sign3A_53 : i1 to i32
      %sign3A_55 = arith.constant 0 : i32
      %sign3A_56 = arith.cmpi slt, %add3A_52, %sign3A_55 : i32
      %sign3A_57 = arith.extui %sign3A_56 : i1 to i32
      %sign3A_58 = arith.subi %sign3A_54, %sign3A_57 : i32
      %sign3A_59 = arith.constant 0 : i32
      %sign3A_60 = arith.cmpi sgt, %jit3A, %sign3A_59 : i32
      %sign3A_61 = arith.extui %sign3A_60 : i1 to i32
      %sign3A_62 = arith.constant 0 : i32
      %sign3A_63 = arith.cmpi slt, %jit3A, %sign3A_62 : i32
      %sign3A_64 = arith.extui %sign3A_63 : i1 to i32
      %sign3A_65 = arith.subi %sign3A_61, %sign3A_64 : i32
      %ne3A = arith.cmpi ne, %sign3A_58, %sign3A_65 : i32
      %rem3A = arith.remsi %add3A_52, %jit3A : i32
      %ne3A_66 = arith.constant 0 : i32
      %ne3A_67 = arith.cmpi ne, %rem3A, %ne3A_66 : i32
      %and3A = arith.andi %ne3A, %ne3A_67 : i1
      %sub3A = arith.constant 1 : i32
      %sub3A_68 = arith.subi %div3A, %sub3A : i32
      %select_n3A = arith.select %and3A, %sub3A_68, %div3A : i32
      %jit3A_69 = arith.constant 16 : i32
      %eq3A = arith.constant 0 : i32
      %eq3A_70 = arith.cmpi eq, %jit3A_69, %eq3A : i32
      %jit3A_71 = arith.constant 1 : i32
      %select_n3A_72 = arith.select %eq3A_70, %jit3A_71, %jit3A_69 : i32
      %rem3A_73 = arith.remsi %add3A_52, %select_n3A_72 : i32
      %ne3A_74 = arith.constant 0 : i32
      %ne3A_75 = arith.cmpi ne, %rem3A_73, %ne3A_74 : i32
      %lt3A = arith.constant 0 : i32
      %lt3A_76 = arith.cmpi slt, %rem3A_73, %lt3A : i32
      %lt3A_77 = arith.constant 0 : i32
      %lt3A_78 = arith.cmpi slt, %select_n3A_72, %lt3A_77 : i32
      %ne3A_79 = arith.xori %lt3A_76, %lt3A_78 : i1
      %and3A_80 = arith.andi %ne3A_79, %ne3A_75 : i1
      %add3A_81 = arith.addi %rem3A_73, %select_n3A_72 : i32
      %select_n3A_82 = arith.select %and3A_80, %add3A_81, %rem3A_73 : i32
      %mul3A_83 = arith.constant 4096 : i32
      %mul3A_84 = arith.muli %select_n3A, %mul3A_83 : i32
      %add3A_85 = arith.addi %mul3A_84, %mul3A_2 : i32
      %mul3A_86 = arith.constant 8 : i32
      %mul3A_87 = arith.muli %select_n3A_82, %mul3A_86 : i32
      %add3A_88 = arith.addi %add3A_85, %mul3A_87 : i32
      %dma_wait3A_89 = arith.constant 0 : i32
      %dma_wait3A_90 = tpu.memref_slice %arg2[%add3A_88, %dma_wait3A_89] : memref<8192x2048xf32, #tpu.memory_space<hbm>> -> memref<8x2048xf32, #tpu.memory_space<hbm>>
      %dma_wait3A_91 = arith.constant 0 : i32
      %dma_wait3A_92 = tpu.memref_slice %arg2[%add3A_88, %dma_wait3A_91] : memref<8192x2048xf32, #tpu.memory_space<hbm>> -> memref<8x2048xf32, #tpu.memory_space<hbm>>
      tpu.wait_dma2 semaphore(%arg11 : memref<!tpu.dma_semaphore, #tpu.memory_space<semaphore_mem>>) src(%dma_wait3A_92 : memref<8x2048xf32, #tpu.memory_space<hbm>>) dst(%arg6 : memref<8x2048xf32, #tpu.memory_space<vmem>>)
      %gt3A = arith.constant 0 : i32
      %gt3A_93 = arith.cmpi sgt, %scan3A_47, %gt3A : i32
      %convert_element_type3A = arith.extui %gt3A_93 : i1 to i32
      %cond3A = arith.constant 0 : i32
      %cond3A_94 = arith.cmpi ne, %convert_element_type3A, %cond3A : i32
      scf.if %cond3A_94 {
        %sub3A_429 = arith.constant 2 : i32
        %sub3A_430 = arith.subi %add3A_52, %sub3A_429 : i32
        %jit3A_431 = arith.constant 16 : i32
        %div3A_432 = arith.divsi %sub3A_430, %jit3A_431 : i32
        %sign3A_433 = arith.constant 0 : i32
        %sign3A_434 = arith.cmpi sgt, %sub3A_430, %sign3A_433 : i32
        %sign3A_435 = arith.extui %sign3A_434 : i1 to i32
        %sign3A_436 = arith.constant 0 : i32
        %sign3A_437 = arith.cmpi slt, %sub3A_430, %sign3A_436 : i32
        %sign3A_438 = arith.extui %sign3A_437 : i1 to i32
        %sign3A_439 = arith.subi %sign3A_435, %sign3A_438 : i32
        %sign3A_440 = arith.constant 0 : i32
        %sign3A_441 = arith.cmpi sgt, %jit3A_431, %sign3A_440 : i32
        %sign3A_442 = arith.extui %sign3A_441 : i1 to i32
        %sign3A_443 = arith.constant 0 : i32
        %sign3A_444 = arith.cmpi slt, %jit3A_431, %sign3A_443 : i32
        %sign3A_445 = arith.extui %sign3A_444 : i1 to i32
        %sign3A_446 = arith.subi %sign3A_442, %sign3A_445 : i32
        %ne3A_447 = arith.cmpi ne, %sign3A_439, %sign3A_446 : i32
        %rem3A_448 = arith.remsi %sub3A_430, %jit3A_431 : i32
        %ne3A_449 = arith.constant 0 : i32
        %ne3A_450 = arith.cmpi ne, %rem3A_448, %ne3A_449 : i32
        %and3A_451 = arith.andi %ne3A_447, %ne3A_450 : i1
        %sub3A_452 = arith.constant 1 : i32
        %sub3A_453 = arith.subi %div3A_432, %sub3A_452 : i32
        %select_n3A_454 = arith.select %and3A_451, %sub3A_453, %div3A_432 : i32
        %jit3A_455 = arith.constant 16 : i32
        %eq3A_456 = arith.constant 0 : i32
        %eq3A_457 = arith.cmpi eq, %jit3A_455, %eq3A_456 : i32
        %jit3A_458 = arith.constant 1 : i32
        %select_n3A_459 = arith.select %eq3A_457, %jit3A_458, %jit3A_455 : i32
        %rem3A_460 = arith.remsi %sub3A_430, %select_n3A_459 : i32
        %ne3A_461 = arith.constant 0 : i32
        %ne3A_462 = arith.cmpi ne, %rem3A_460, %ne3A_461 : i32
        %lt3A_463 = arith.constant 0 : i32
        %lt3A_464 = arith.cmpi slt, %rem3A_460, %lt3A_463 : i32
        %lt3A_465 = arith.constant 0 : i32
        %lt3A_466 = arith.cmpi slt, %select_n3A_459, %lt3A_465 : i32
        %ne3A_467 = arith.xori %lt3A_464, %lt3A_466 : i1
        %and3A_468 = arith.andi %ne3A_467, %ne3A_462 : i1
        %add3A_469 = arith.addi %rem3A_460, %select_n3A_459 : i32
        %select_n3A_470 = arith.select %and3A_468, %add3A_469, %rem3A_460 : i32
        %mul3A_471 = arith.constant 4096 : i32
        %mul3A_472 = arith.muli %select_n3A_454, %mul3A_471 : i32
        %add3A_473 = arith.addi %mul3A_472, %mul3A_2 : i32
        %mul3A_474 = arith.constant 8 : i32
        %mul3A_475 = arith.muli %select_n3A_470, %mul3A_474 : i32
        %add3A_476 = arith.addi %add3A_473, %mul3A_475 : i32
        %dma_wait3A_477 = arith.constant 0 : i32
        %dma_wait3A_478 = tpu.memref_slice %arg4[%add3A_476, %dma_wait3A_477] : memref<8192x2048xf32, #tpu.memory_space<hbm>> -> memref<8x2048xf32, #tpu.memory_space<hbm>>
        %dma_wait3A_479 = arith.constant 0 : i32
        %dma_wait3A_480 = tpu.memref_slice %arg4[%add3A_476, %dma_wait3A_479] : memref<8192x2048xf32, #tpu.memory_space<hbm>> -> memref<8x2048xf32, #tpu.memory_space<hbm>>
        tpu.wait_dma2 semaphore(%arg13 : memref<!tpu.dma_semaphore, #tpu.memory_space<semaphore_mem>>) src(%arg8 : memref<8x2048xf32, #tpu.memory_space<vmem>>) dst(%dma_wait3A_480 : memref<8x2048xf32, #tpu.memory_space<hbm>>)
      } else {
      }
      %jit3A_95 = arith.constant 16 : i32
      %eq3A_96 = arith.constant 0 : i32
      %eq3A_97 = arith.cmpi eq, %jit3A_95, %eq3A_96 : i32
      %jit3A_98 = arith.constant 1 : i32
      %select_n3A_99 = arith.select %eq3A_97, %jit3A_98, %jit3A_95 : i32
      %rem3A_100 = arith.remsi %add3A_52, %select_n3A_99 : i32
      %ne3A_101 = arith.constant 0 : i32
      %ne3A_102 = arith.cmpi ne, %rem3A_100, %ne3A_101 : i32
      %lt3A_103 = arith.constant 0 : i32
      %lt3A_104 = arith.cmpi slt, %rem3A_100, %lt3A_103 : i32
      %lt3A_105 = arith.constant 0 : i32
      %lt3A_106 = arith.cmpi slt, %select_n3A_99, %lt3A_105 : i32
      %ne3A_107 = arith.xori %lt3A_104, %lt3A_106 : i1
      %and3A_108 = arith.andi %ne3A_107, %ne3A_102 : i1
      %add3A_109 = arith.addi %rem3A_100, %select_n3A_99 : i32
      %select_n3A_110 = arith.select %and3A_108, %add3A_109, %rem3A_100 : i32
      %mul3A_111 = arith.constant 8 : i32
      %mul3A_112 = arith.muli %select_n3A_110, %mul3A_111 : i32
      %add3A_113 = arith.constant 0 : i32
      %add3A_114 = arith.addi %mul3A_112, %add3A_113 : i32
      %get3A = arith.index_cast %add3A_114 : i32 to index
      %get3A_115 = arith.constant 0 : index
      %get3A_116 = tpu.vector_load %arg5[%get3A, %get3A_115] {strides = array<i32>} : memref<128x16xf32, #tpu.memory_space<vmem>>, vector<1x16xf32>,
      %get3A_117 = vector.shape_cast %get3A_116 : vector<1x16xf32> to vector<16xf32>
      %mul3A_118 = arith.constant 8 : i32
      %mul3A_119 = arith.muli %select_n3A_110, %mul3A_118 : i32
      %add3A_120 = arith.constant 1 : i32
      %add3A_121 = arith.addi %mul3A_119, %add3A_120 : i32
      %get3A_122 = arith.index_cast %add3A_121 : i32 to index
      %get3A_123 = arith.constant 0 : index
      %get3A_124 = tpu.vector_load %arg5[%get3A_122, %get3A_123] {strides = array<i32>} : memref<128x16xf32, #tpu.memory_space<vmem>>, vector<1x16xf32>,
      %get3A_125 = vector.shape_cast %get3A_124 : vector<1x16xf32> to vector<16xf32>
      %mul3A_126 = arith.constant 8 : i32
      %mul3A_127 = arith.muli %select_n3A_110, %mul3A_126 : i32
      %add3A_128 = arith.constant 2 : i32
      %add3A_129 = arith.addi %mul3A_127, %add3A_128 : i32
      %get3A_130 = arith.index_cast %add3A_129 : i32 to index
      %get3A_131 = arith.constant 0 : index
      %get3A_132 = tpu.vector_load %arg5[%get3A_130, %get3A_131] {strides = array<i32>} : memref<128x16xf32, #tpu.memory_space<vmem>>, vector<1x16xf32>,
      %get3A_133 = vector.shape_cast %get3A_132 : vector<1x16xf32> to vector<16xf32>
      %mul3A_134 = arith.constant 8 : i32
      %mul3A_135 = arith.muli %select_n3A_110, %mul3A_134 : i32
      %add3A_136 = arith.constant 3 : i32
      %add3A_137 = arith.addi %mul3A_135, %add3A_136 : i32
      %get3A_138 = arith.index_cast %add3A_137 : i32 to index
      %get3A_139 = arith.constant 0 : index
      %get3A_140 = tpu.vector_load %arg5[%get3A_138, %get3A_139] {strides = array<i32>} : memref<128x16xf32, #tpu.memory_space<vmem>>, vector<1x16xf32>,
      %get3A_141 = vector.shape_cast %get3A_140 : vector<1x16xf32> to vector<16xf32>
      %mul3A_142 = arith.constant 8 : i32
      %mul3A_143 = arith.muli %select_n3A_110, %mul3A_142 : i32
      %add3A_144 = arith.constant 4 : i32
      %add3A_145 = arith.addi %mul3A_143, %add3A_144 : i32
      %get3A_146 = arith.index_cast %add3A_145 : i32 to index
      %get3A_147 = arith.constant 0 : index
      %get3A_148 = tpu.vector_load %arg5[%get3A_146, %get3A_147] {strides = array<i32>} : memref<128x16xf32, #tpu.memory_space<vmem>>, vector<1x16xf32>,
      %get3A_149 = vector.shape_cast %get3A_148 : vector<1x16xf32> to vector<16xf32>
      %mul3A_150 = arith.constant 8 : i32
      %mul3A_151 = arith.muli %select_n3A_110, %mul3A_150 : i32
      %add3A_152 = arith.constant 5 : i32
      %add3A_153 = arith.addi %mul3A_151, %add3A_152 : i32
      %get3A_154 = arith.index_cast %add3A_153 : i32 to index
      %get3A_155 = arith.constant 0 : index
      %get3A_156 = tpu.vector_load %arg5[%get3A_154, %get3A_155] {strides = array<i32>} : memref<128x16xf32, #tpu.memory_space<vmem>>, vector<1x16xf32>,
      %get3A_157 = vector.shape_cast %get3A_156 : vector<1x16xf32> to vector<16xf32>
      %mul3A_158 = arith.constant 8 : i32
      %mul3A_159 = arith.muli %select_n3A_110, %mul3A_158 : i32
      %add3A_160 = arith.constant 6 : i32
      %add3A_161 = arith.addi %mul3A_159, %add3A_160 : i32
      %get3A_162 = arith.index_cast %add3A_161 : i32 to index
      %get3A_163 = arith.constant 0 : index
      %get3A_164 = tpu.vector_load %arg5[%get3A_162, %get3A_163] {strides = array<i32>} : memref<128x16xf32, #tpu.memory_space<vmem>>, vector<1x16xf32>,
      %get3A_165 = vector.shape_cast %get3A_164 : vector<1x16xf32> to vector<16xf32>
      %mul3A_166 = arith.constant 8 : i32
      %mul3A_167 = arith.muli %select_n3A_110, %mul3A_166 : i32
      %add3A_168 = arith.constant 7 : i32
      %add3A_169 = arith.addi %mul3A_167, %add3A_168 : i32
      %get3A_170 = arith.index_cast %add3A_169 : i32 to index
      %get3A_171 = arith.constant 0 : index
      %get3A_172 = tpu.vector_load %arg5[%get3A_170, %get3A_171] {strides = array<i32>} : memref<128x16xf32, #tpu.memory_space<vmem>>, vector<1x16xf32>,
      %get3A_173 = vector.shape_cast %get3A_172 : vector<1x16xf32> to vector<16xf32>
      %parallel_loop3A = arith.constant 0 : i32
      %parallel_loop3A_174 = arith.constant 128 : i32
      %parallel_loop3A_175 = arith.constant 1 : i32
      scf.for %parallel_loop3A_429 = %parallel_loop3A to %parallel_loop3A_174 step %parallel_loop3A_175  : i32 {
        %parallel_loop3A_430 = arith.constant 16 : i32
        %parallel_loop3A_431 = arith.muli %parallel_loop3A_429, %parallel_loop3A_430 : i32
        %parallel_loop3A_432 = arith.constant 0 : i32
        %parallel_loop3A_433 = arith.index_cast %parallel_loop3A_432 : i32 to index
        %parallel_loop3A_434 = arith.index_cast %parallel_loop3A_431 : i32 to index
        %parallel_loop3A_435 = tpu.vector_load %arg6[%parallel_loop3A_433, %parallel_loop3A_434] {strides = array<i32>} : memref<8x2048xf32, #tpu.memory_space<vmem>>, vector<1x16xf32>,
        %parallel_loop3A_436 = vector.shape_cast %parallel_loop3A_435 : vector<1x16xf32> to vector<16xf32>
        %parallel_loop3A_437 = arith.mulf %parallel_loop3A_436, %get3A_117 : vector<16xf32>
        %parallel_loop3A_438 = arith.constant 16 : i32
        %parallel_loop3A_439 = arith.muli %parallel_loop3A_429, %parallel_loop3A_438 : i32
        %parallel_loop3A_440 = arith.constant 0 : i32
        %parallel_loop3A_441 = arith.index_cast %parallel_loop3A_440 : i32 to index
        %parallel_loop3A_442 = arith.index_cast %parallel_loop3A_439 : i32 to index
        %parallel_loop3A_443 = tpu.vector_load %arg8[%parallel_loop3A_441, %parallel_loop3A_442] {strides = array<i32>} : memref<8x2048xf32, #tpu.memory_space<vmem>>, vector<1x16xf32>,
        %parallel_loop3A_444 = vector.shape_cast %parallel_loop3A_443 : vector<1x16xf32> to vector<16xf32>
        %parallel_loop3A_445 = vector.shape_cast %parallel_loop3A_437 : vector<16xf32> to vector<1x16xf32>
        tpu.vector_store %arg8[%parallel_loop3A_441, %parallel_loop3A_442], %parallel_loop3A_445 {strides = array<i32>} : memref<8x2048xf32, #tpu.memory_space<vmem>>, vector<1x16xf32>,
        %parallel_loop3A_446 = arith.constant 16 : i32
        %parallel_loop3A_447 = arith.muli %parallel_loop3A_429, %parallel_loop3A_446 : i32
        %parallel_loop3A_448 = arith.constant 1 : i32
        %parallel_loop3A_449 = arith.index_cast %parallel_loop3A_448 : i32 to index
        %parallel_loop3A_450 = arith.index_cast %parallel_loop3A_447 : i32 to index
        %parallel_loop3A_451 = tpu.vector_load %arg6[%parallel_loop3A_449, %parallel_loop3A_450] {strides = array<i32>} : memref<8x2048xf32, #tpu.memory_space<vmem>>, vector<1x16xf32>,
        %parallel_loop3A_452 = vector.shape_cast %parallel_loop3A_451 : vector<1x16xf32> to vector<16xf32>
        %parallel_loop3A_453 = arith.mulf %parallel_loop3A_452, %get3A_125 : vector<16xf32>
        %parallel_loop3A_454 = arith.constant 16 : i32
        %parallel_loop3A_455 = arith.muli %parallel_loop3A_429, %parallel_loop3A_454 : i32
        %parallel_loop3A_456 = arith.constant 1 : i32
        %parallel_loop3A_457 = arith.index_cast %parallel_loop3A_456 : i32 to index
        %parallel_loop3A_458 = arith.index_cast %parallel_loop3A_455 : i32 to index
        %parallel_loop3A_459 = tpu.vector_load %arg8[%parallel_loop3A_457, %parallel_loop3A_458] {strides = array<i32>} : memref<8x2048xf32, #tpu.memory_space<vmem>>, vector<1x16xf32>,
        %parallel_loop3A_460 = vector.shape_cast %parallel_loop3A_459 : vector<1x16xf32> to vector<16xf32>
        %parallel_loop3A_461 = vector.shape_cast %parallel_loop3A_453 : vector<16xf32> to vector<1x16xf32>
        tpu.vector_store %arg8[%parallel_loop3A_457, %parallel_loop3A_458], %parallel_loop3A_461 {strides = array<i32>} : memref<8x2048xf32, #tpu.memory_space<vmem>>, vector<1x16xf32>,
        %parallel_loop3A_462 = arith.constant 16 : i32
        %parallel_loop3A_463 = arith.muli %parallel_loop3A_429, %parallel_loop3A_462 : i32
        %parallel_loop3A_464 = arith.constant 2 : i32
        %parallel_loop3A_465 = arith.index_cast %parallel_loop3A_464 : i32 to index
        %parallel_loop3A_466 = arith.index_cast %parallel_loop3A_463 : i32 to index
        %parallel_loop3A_467 = tpu.vector_load %arg6[%parallel_loop3A_465, %parallel_loop3A_466] {strides = array<i32>} : memref<8x2048xf32, #tpu.memory_space<vmem>>, vector<1x16xf32>,
        %parallel_loop3A_468 = vector.shape_cast %parallel_loop3A_467 : vector<1x16xf32> to vector<16xf32>
        %parallel_loop3A_469 = arith.mulf %parallel_loop3A_468, %get3A_133 : vector<16xf32>
        %parallel_loop3A_470 = arith.constant 16 : i32
        %parallel_loop3A_471 = arith.muli %parallel_loop3A_429, %parallel_loop3A_470 : i32
        %parallel_loop3A_472 = arith.constant 2 : i32
        %parallel_loop3A_473 = arith.index_cast %parallel_loop3A_472 : i32 to index
        %parallel_loop3A_474 = arith.index_cast %parallel_loop3A_471 : i32 to index
        %parallel_loop3A_475 = tpu.vector_load %arg8[%parallel_loop3A_473, %parallel_loop3A_474] {strides = array<i32>} : memref<8x2048xf32, #tpu.memory_space<vmem>>, vector<1x16xf32>,
        %parallel_loop3A_476 = vector.shape_cast %parallel_loop3A_475 : vector<1x16xf32> to vector<16xf32>
        %parallel_loop3A_477 = vector.shape_cast %parallel_loop3A_469 : vector<16xf32> to vector<1x16xf32>
        tpu.vector_store %arg8[%parallel_loop3A_473, %parallel_loop3A_474], %parallel_loop3A_477 {strides = array<i32>} : memref<8x2048xf32, #tpu.memory_space<vmem>>, vector<1x16xf32>,
        %parallel_loop3A_478 = arith.constant 16 : i32
        %parallel_loop3A_479 = arith.muli %parallel_loop3A_429, %parallel_loop3A_478 : i32
        %parallel_loop3A_480 = arith.constant 3 : i32
        %parallel_loop3A_481 = arith.index_cast %parallel_loop3A_480 : i32 to index
        %parallel_loop3A_482 = arith.index_cast %parallel_loop3A_479 : i32 to index
        %parallel_loop3A_483 = tpu.vector_load %arg6[%parallel_loop3A_481, %parallel_loop3A_482] {strides = array<i32>} : memref<8x2048xf32, #tpu.memory_space<vmem>>, vector<1x16xf32>,
        %parallel_loop3A_484 = vector.shape_cast %parallel_loop3A_483 : vector<1x16xf32> to vector<16xf32>
        %parallel_loop3A_485 = arith.mulf %parallel_loop3A_484, %get3A_141 : vector<16xf32>
        %parallel_loop3A_486 = arith.constant 16 : i32
        %parallel_loop3A_487 = arith.muli %parallel_loop3A_429, %parallel_loop3A_486 : i32
        %parallel_loop3A_488 = arith.constant 3 : i32
        %parallel_loop3A_489 = arith.index_cast %parallel_loop3A_488 : i32 to index
        %parallel_loop3A_490 = arith.index_cast %parallel_loop3A_487 : i32 to index
        %parallel_loop3A_491 = tpu.vector_load %arg8[%parallel_loop3A_489, %parallel_loop3A_490] {strides = array<i32>} : memref<8x2048xf32, #tpu.memory_space<vmem>>, vector<1x16xf32>,
        %parallel_loop3A_492 = vector.shape_cast %parallel_loop3A_491 : vector<1x16xf32> to vector<16xf32>
        %parallel_loop3A_493 = vector.shape_cast %parallel_loop3A_485 : vector<16xf32> to vector<1x16xf32>
        tpu.vector_store %arg8[%parallel_loop3A_489, %parallel_loop3A_490], %parallel_loop3A_493 {strides = array<i32>} : memref<8x2048xf32, #tpu.memory_space<vmem>>, vector<1x16xf32>,
        %parallel_loop3A_494 = arith.constant 16 : i32
        %parallel_loop3A_495 = arith.muli %parallel_loop3A_429, %parallel_loop3A_494 : i32
        %parallel_loop3A_496 = arith.constant 4 : i32
        %parallel_loop3A_497 = arith.index_cast %parallel_loop3A_496 : i32 to index
        %parallel_loop3A_498 = arith.index_cast %parallel_loop3A_495 : i32 to index
        %parallel_loop3A_499 = tpu.vector_load %arg6[%parallel_loop3A_497, %parallel_loop3A_498] {strides = array<i32>} : memref<8x2048xf32, #tpu.memory_space<vmem>>, vector<1x16xf32>,
        %parallel_loop3A_500 = vector.shape_cast %parallel_loop3A_499 : vector<1x16xf32> to vector<16xf32>
        %parallel_loop3A_501 = arith.mulf %parallel_loop3A_500, %get3A_149 : vector<16xf32>
        %parallel_loop3A_502 = arith.constant 16 : i32
        %parallel_loop3A_503 = arith.muli %parallel_loop3A_429, %parallel_loop3A_502 : i32
        %parallel_loop3A_504 = arith.constant 4 : i32
        %parallel_loop3A_505 = arith.index_cast %parallel_loop3A_504 : i32 to index
        %parallel_loop3A_506 = arith.index_cast %parallel_loop3A_503 : i32 to index
        %parallel_loop3A_507 = tpu.vector_load %arg8[%parallel_loop3A_505, %parallel_loop3A_506] {strides = array<i32>} : memref<8x2048xf32, #tpu.memory_space<vmem>>, vector<1x16xf32>,
        %parallel_loop3A_508 = vector.shape_cast %parallel_loop3A_507 : vector<1x16xf32> to vector<16xf32>
        %parallel_loop3A_509 = vector.shape_cast %parallel_loop3A_501 : vector<16xf32> to vector<1x16xf32>
        tpu.vector_store %arg8[%parallel_loop3A_505, %parallel_loop3A_506], %parallel_loop3A_509 {strides = array<i32>} : memref<8x2048xf32, #tpu.memory_space<vmem>>, vector<1x16xf32>,
        %parallel_loop3A_510 = arith.constant 16 : i32
        %parallel_loop3A_511 = arith.muli %parallel_loop3A_429, %parallel_loop3A_510 : i32
        %parallel_loop3A_512 = arith.constant 5 : i32
        %parallel_loop3A_513 = arith.index_cast %parallel_loop3A_512 : i32 to index
        %parallel_loop3A_514 = arith.index_cast %parallel_loop3A_511 : i32 to index
        %parallel_loop3A_515 = tpu.vector_load %arg6[%parallel_loop3A_513, %parallel_loop3A_514] {strides = array<i32>} : memref<8x2048xf32, #tpu.memory_space<vmem>>, vector<1x16xf32>,
        %parallel_loop3A_516 = vector.shape_cast %parallel_loop3A_515 : vector<1x16xf32> to vector<16xf32>
        %parallel_loop3A_517 = arith.mulf %parallel_loop3A_516, %get3A_157 : vector<16xf32>
        %parallel_loop3A_518 = arith.constant 16 : i32
        %parallel_loop3A_519 = arith.muli %parallel_loop3A_429, %parallel_loop3A_518 : i32
        %parallel_loop3A_520 = arith.constant 5 : i32
        %parallel_loop3A_521 = arith.index_cast %parallel_loop3A_520 : i32 to index
        %parallel_loop3A_522 = arith.index_cast %parallel_loop3A_519 : i32 to index
        %parallel_loop3A_523 = tpu.vector_load %arg8[%parallel_loop3A_521, %parallel_loop3A_522] {strides = array<i32>} : memref<8x2048xf32, #tpu.memory_space<vmem>>, vector<1x16xf32>,
        %parallel_loop3A_524 = vector.shape_cast %parallel_loop3A_523 : vector<1x16xf32> to vector<16xf32>
        %parallel_loop3A_525 = vector.shape_cast %parallel_loop3A_517 : vector<16xf32> to vector<1x16xf32>
        tpu.vector_store %arg8[%parallel_loop3A_521, %parallel_loop3A_522], %parallel_loop3A_525 {strides = array<i32>} : memref<8x2048xf32, #tpu.memory_space<vmem>>, vector<1x16xf32>,
        %parallel_loop3A_526 = arith.constant 16 : i32
        %parallel_loop3A_527 = arith.muli %parallel_loop3A_429, %parallel_loop3A_526 : i32
        %parallel_loop3A_528 = arith.constant 6 : i32
        %parallel_loop3A_529 = arith.index_cast %parallel_loop3A_528 : i32 to index
        %parallel_loop3A_530 = arith.index_cast %parallel_loop3A_527 : i32 to index
        %parallel_loop3A_531 = tpu.vector_load %arg6[%parallel_loop3A_529, %parallel_loop3A_530] {strides = array<i32>} : memref<8x2048xf32, #tpu.memory_space<vmem>>, vector<1x16xf32>,
        %parallel_loop3A_532 = vector.shape_cast %parallel_loop3A_531 : vector<1x16xf32> to vector<16xf32>
        %parallel_loop3A_533 = arith.mulf %parallel_loop3A_532, %get3A_165 : vector<16xf32>
        %parallel_loop3A_534 = arith.constant 16 : i32
        %parallel_loop3A_535 = arith.muli %parallel_loop3A_429, %parallel_loop3A_534 : i32
        %parallel_loop3A_536 = arith.constant 6 : i32
        %parallel_loop3A_537 = arith.index_cast %parallel_loop3A_536 : i32 to index
        %parallel_loop3A_538 = arith.index_cast %parallel_loop3A_535 : i32 to index
        %parallel_loop3A_539 = tpu.vector_load %arg8[%parallel_loop3A_537, %parallel_loop3A_538] {strides = array<i32>} : memref<8x2048xf32, #tpu.memory_space<vmem>>, vector<1x16xf32>,
        %parallel_loop3A_540 = vector.shape_cast %parallel_loop3A_539 : vector<1x16xf32> to vector<16xf32>
        %parallel_loop3A_541 = vector.shape_cast %parallel_loop3A_533 : vector<16xf32> to vector<1x16xf32>
        tpu.vector_store %arg8[%parallel_loop3A_537, %parallel_loop3A_538], %parallel_loop3A_541 {strides = array<i32>} : memref<8x2048xf32, #tpu.memory_space<vmem>>, vector<1x16xf32>,
        %parallel_loop3A_542 = arith.constant 16 : i32
        %parallel_loop3A_543 = arith.muli %parallel_loop3A_429, %parallel_loop3A_542 : i32
        %parallel_loop3A_544 = arith.constant 7 : i32
        %parallel_loop3A_545 = arith.index_cast %parallel_loop3A_544 : i32 to index
        %parallel_loop3A_546 = arith.index_cast %parallel_loop3A_543 : i32 to index
        %parallel_loop3A_547 = tpu.vector_load %arg6[%parallel_loop3A_545, %parallel_loop3A_546] {strides = array<i32>} : memref<8x2048xf32, #tpu.memory_space<vmem>>, vector<1x16xf32>,
        %parallel_loop3A_548 = vector.shape_cast %parallel_loop3A_547 : vector<1x16xf32> to vector<16xf32>
        %parallel_loop3A_549 = arith.mulf %parallel_loop3A_548, %get3A_173 : vector<16xf32>
        %parallel_loop3A_550 = arith.constant 16 : i32
        %parallel_loop3A_551 = arith.muli %parallel_loop3A_429, %parallel_loop3A_550 : i32
        %parallel_loop3A_552 = arith.constant 7 : i32
        %parallel_loop3A_553 = arith.index_cast %parallel_loop3A_552 : i32 to index
        %parallel_loop3A_554 = arith.index_cast %parallel_loop3A_551 : i32 to index
        %parallel_loop3A_555 = tpu.vector_load %arg8[%parallel_loop3A_553, %parallel_loop3A_554] {strides = array<i32>} : memref<8x2048xf32, #tpu.memory_space<vmem>>, vector<1x16xf32>,
        %parallel_loop3A_556 = vector.shape_cast %parallel_loop3A_555 : vector<1x16xf32> to vector<16xf32>
        %parallel_loop3A_557 = vector.shape_cast %parallel_loop3A_549 : vector<16xf32> to vector<1x16xf32>
        tpu.vector_store %arg8[%parallel_loop3A_553, %parallel_loop3A_554], %parallel_loop3A_557 {strides = array<i32>} : memref<8x2048xf32, #tpu.memory_space<vmem>>, vector<1x16xf32>,
      } {sc.loop_unroll_factor = 2 : i64, sc.parallel_access}
      %lt3A_176 = arith.constant 15 : i32
      %lt3A_177 = arith.cmpi slt, %scan3A_47, %lt3A_176 : i32
      %convert_element_type3A_178 = arith.extui %lt3A_177 : i1 to i32
      %cond3A_179 = arith.constant 0 : i32
      %cond3A_180 = arith.cmpi ne, %convert_element_type3A_178, %cond3A_179 : i32
      scf.if %cond3A_180 {
        %add3A_429 = arith.constant 2 : i32
        %add3A_430 = arith.addi %add3A_52, %add3A_429 : i32
        %jit3A_431 = arith.constant 16 : i32
        %div3A_432 = arith.divsi %add3A_430, %jit3A_431 : i32
        %sign3A_433 = arith.constant 0 : i32
        %sign3A_434 = arith.cmpi sgt, %add3A_430, %sign3A_433 : i32
        %sign3A_435 = arith.extui %sign3A_434 : i1 to i32
        %sign3A_436 = arith.constant 0 : i32
        %sign3A_437 = arith.cmpi slt, %add3A_430, %sign3A_436 : i32
        %sign3A_438 = arith.extui %sign3A_437 : i1 to i32
        %sign3A_439 = arith.subi %sign3A_435, %sign3A_438 : i32
        %sign3A_440 = arith.constant 0 : i32
        %sign3A_441 = arith.cmpi sgt, %jit3A_431, %sign3A_440 : i32
        %sign3A_442 = arith.extui %sign3A_441 : i1 to i32
        %sign3A_443 = arith.constant 0 : i32
        %sign3A_444 = arith.cmpi slt, %jit3A_431, %sign3A_443 : i32
        %sign3A_445 = arith.extui %sign3A_444 : i1 to i32
        %sign3A_446 = arith.subi %sign3A_442, %sign3A_445 : i32
        %ne3A_447 = arith.cmpi ne, %sign3A_439, %sign3A_446 : i32
        %rem3A_448 = arith.remsi %add3A_430, %jit3A_431 : i32
        %ne3A_449 = arith.constant 0 : i32
        %ne3A_450 = arith.cmpi ne, %rem3A_448, %ne3A_449 : i32
        %and3A_451 = arith.andi %ne3A_447, %ne3A_450 : i1
        %sub3A_452 = arith.constant 1 : i32
        %sub3A_453 = arith.subi %div3A_432, %sub3A_452 : i32
        %select_n3A_454 = arith.select %and3A_451, %sub3A_453, %div3A_432 : i32
        %jit3A_455 = arith.constant 16 : i32
        %eq3A_456 = arith.constant 0 : i32
        %eq3A_457 = arith.cmpi eq, %jit3A_455, %eq3A_456 : i32
        %jit3A_458 = arith.constant 1 : i32
        %select_n3A_459 = arith.select %eq3A_457, %jit3A_458, %jit3A_455 : i32
        %rem3A_460 = arith.remsi %add3A_430, %select_n3A_459 : i32
        %ne3A_461 = arith.constant 0 : i32
        %ne3A_462 = arith.cmpi ne, %rem3A_460, %ne3A_461 : i32
        %lt3A_463 = arith.constant 0 : i32
        %lt3A_464 = arith.cmpi slt, %rem3A_460, %lt3A_463 : i32
        %lt3A_465 = arith.constant 0 : i32
        %lt3A_466 = arith.cmpi slt, %select_n3A_459, %lt3A_465 : i32
        %ne3A_467 = arith.xori %lt3A_464, %lt3A_466 : i1
        %and3A_468 = arith.andi %ne3A_467, %ne3A_462 : i1
        %add3A_469 = arith.addi %rem3A_460, %select_n3A_459 : i32
        %select_n3A_470 = arith.select %and3A_468, %add3A_469, %rem3A_460 : i32
        %mul3A_471 = arith.constant 4096 : i32
        %mul3A_472 = arith.muli %select_n3A_454, %mul3A_471 : i32
        %add3A_473 = arith.addi %mul3A_472, %mul3A_2 : i32
        %mul3A_474 = arith.constant 8 : i32
        %mul3A_475 = arith.muli %select_n3A_470, %mul3A_474 : i32
        %add3A_476 = arith.addi %add3A_473, %mul3A_475 : i32
        %dma_start3A_477 = arith.constant 0 : i32
        %dma_start3A_478 = tpu.memref_slice %arg2[%add3A_476, %dma_start3A_477] : memref<8192x2048xf32, #tpu.memory_space<hbm>> -> memref<8x2048xf32, #tpu.memory_space<hbm>>
        %dma_start3A_479 = arith.constant 0 : i32
        %dma_start3A_480 = tpu.memref_slice %arg2[%add3A_476, %dma_start3A_479] : memref<8192x2048xf32, #tpu.memory_space<hbm>> -> memref<8x2048xf32, #tpu.memory_space<hbm>>
        tpu.enqueue_dma source(%dma_start3A_480 : memref<8x2048xf32, #tpu.memory_space<hbm>>) target(%arg6 : memref<8x2048xf32, #tpu.memory_space<vmem>>) target_semaphore(%arg11 : memref<!tpu.dma_semaphore, #tpu.memory_space<semaphore_mem>>)
      } else {
      }
      %jit3A_181 = arith.constant 16 : i32
      %div3A_182 = arith.divsi %add3A_52, %jit3A_181 : i32
      %sign3A_183 = arith.constant 0 : i32
      %sign3A_184 = arith.cmpi sgt, %add3A_52, %sign3A_183 : i32
      %sign3A_185 = arith.extui %sign3A_184 : i1 to i32
      %sign3A_186 = arith.constant 0 : i32
      %sign3A_187 = arith.cmpi slt, %add3A_52, %sign3A_186 : i32
      %sign3A_188 = arith.extui %sign3A_187 : i1 to i32
      %sign3A_189 = arith.subi %sign3A_185, %sign3A_188 : i32
      %sign3A_190 = arith.constant 0 : i32
      %sign3A_191 = arith.cmpi sgt, %jit3A_181, %sign3A_190 : i32
      %sign3A_192 = arith.extui %sign3A_191 : i1 to i32
      %sign3A_193 = arith.constant 0 : i32
      %sign3A_194 = arith.cmpi slt, %jit3A_181, %sign3A_193 : i32
      %sign3A_195 = arith.extui %sign3A_194 : i1 to i32
      %sign3A_196 = arith.subi %sign3A_192, %sign3A_195 : i32
      %ne3A_197 = arith.cmpi ne, %sign3A_189, %sign3A_196 : i32
      %rem3A_198 = arith.remsi %add3A_52, %jit3A_181 : i32
      %ne3A_199 = arith.constant 0 : i32
      %ne3A_200 = arith.cmpi ne, %rem3A_198, %ne3A_199 : i32
      %and3A_201 = arith.andi %ne3A_197, %ne3A_200 : i1
      %sub3A_202 = arith.constant 1 : i32
      %sub3A_203 = arith.subi %div3A_182, %sub3A_202 : i32
      %select_n3A_204 = arith.select %and3A_201, %sub3A_203, %div3A_182 : i32
      %jit3A_205 = arith.constant 16 : i32
      %eq3A_206 = arith.constant 0 : i32
      %eq3A_207 = arith.cmpi eq, %jit3A_205, %eq3A_206 : i32
      %jit3A_208 = arith.constant 1 : i32
      %select_n3A_209 = arith.select %eq3A_207, %jit3A_208, %jit3A_205 : i32
      %rem3A_210 = arith.remsi %add3A_52, %select_n3A_209 : i32
      %ne3A_211 = arith.constant 0 : i32
      %ne3A_212 = arith.cmpi ne, %rem3A_210, %ne3A_211 : i32
      %lt3A_213 = arith.constant 0 : i32
      %lt3A_214 = arith.cmpi slt, %rem3A_210, %lt3A_213 : i32
      %lt3A_215 = arith.constant 0 : i32
      %lt3A_216 = arith.cmpi slt, %select_n3A_209, %lt3A_215 : i32
      %ne3A_217 = arith.xori %lt3A_214, %lt3A_216 : i1
      %and3A_218 = arith.andi %ne3A_217, %ne3A_212 : i1
      %add3A_219 = arith.addi %rem3A_210, %select_n3A_209 : i32
      %select_n3A_220 = arith.select %and3A_218, %add3A_219, %rem3A_210 : i32
      %mul3A_221 = arith.constant 4096 : i32
      %mul3A_222 = arith.muli %select_n3A_204, %mul3A_221 : i32
      %add3A_223 = arith.addi %mul3A_222, %mul3A_2 : i32
      %mul3A_224 = arith.constant 8 : i32
      %mul3A_225 = arith.muli %select_n3A_220, %mul3A_224 : i32
      %add3A_226 = arith.addi %add3A_223, %mul3A_225 : i32
      %dma_start3A_227 = arith.constant 0 : i32
      %dma_start3A_228 = tpu.memref_slice %arg4[%add3A_226, %dma_start3A_227] : memref<8192x2048xf32, #tpu.memory_space<hbm>> -> memref<8x2048xf32, #tpu.memory_space<hbm>>
      %dma_start3A_229 = arith.constant 0 : i32
      %dma_start3A_230 = tpu.memref_slice %arg4[%add3A_226, %dma_start3A_229] : memref<8192x2048xf32, #tpu.memory_space<hbm>> -> memref<8x2048xf32, #tpu.memory_space<hbm>>
      tpu.enqueue_dma source(%arg8 : memref<8x2048xf32, #tpu.memory_space<vmem>>) target(%dma_start3A_230 : memref<8x2048xf32, #tpu.memory_space<hbm>>) target_semaphore(%arg13 : memref<!tpu.dma_semaphore, #tpu.memory_space<semaphore_mem>>)
      %mul3A_231 = arith.constant 2 : i32
      %mul3A_232 = arith.muli %mul3A_231, %scan3A_47 : i32
      %add3A_233 = arith.constant 1 : i32
      %add3A_234 = arith.addi %mul3A_232, %add3A_233 : i32
      %jit3A_235 = arith.constant 16 : i32
      %div3A_236 = arith.divsi %add3A_234, %jit3A_235 : i32
      %sign3A_237 = arith.constant 0 : i32
      %sign3A_238 = arith.cmpi sgt, %add3A_234, %sign3A_237 : i32
      %sign3A_239 = arith.extui %sign3A_238 : i1 to i32
      %sign3A_240 = arith.constant 0 : i32
      %sign3A_241 = arith.cmpi slt, %add3A_234, %sign3A_240 : i32
      %sign3A_242 = arith.extui %sign3A_241 : i1 to i32
      %sign3A_243 = arith.subi %sign3A_239, %sign3A_242 : i32
      %sign3A_244 = arith.constant 0 : i32
      %sign3A_245 = arith.cmpi sgt, %jit3A_235, %sign3A_244 : i32
      %sign3A_246 = arith.extui %sign3A_245 : i1 to i32
      %sign3A_247 = arith.constant 0 : i32
      %sign3A_248 = arith.cmpi slt, %jit3A_235, %sign3A_247 : i32
      %sign3A_249 = arith.extui %sign3A_248 : i1 to i32
      %sign3A_250 = arith.subi %sign3A_246, %sign3A_249 : i32
      %ne3A_251 = arith.cmpi ne, %sign3A_243, %sign3A_250 : i32
      %rem3A_252 = arith.remsi %add3A_234, %jit3A_235 : i32
      %ne3A_253 = arith.constant 0 : i32
      %ne3A_254 = arith.cmpi ne, %rem3A_252, %ne3A_253 : i32
      %and3A_255 = arith.andi %ne3A_251, %ne3A_254 : i1
      %sub3A_256 = arith.constant 1 : i32
      %sub3A_257 = arith.subi %div3A_236, %sub3A_256 : i32
      %select_n3A_258 = arith.select %and3A_255, %sub3A_257, %div3A_236 : i32
      %jit3A_259 = arith.constant 16 : i32
      %eq3A_260 = arith.constant 0 : i32
      %eq3A_261 = arith.cmpi eq, %jit3A_259, %eq3A_260 : i32
      %jit3A_262 = arith.constant 1 : i32
      %select_n3A_263 = arith.select %eq3A_261, %jit3A_262, %jit3A_259 : i32
      %rem3A_264 = arith.remsi %add3A_234, %select_n3A_263 : i32
      %ne3A_265 = arith.constant 0 : i32
      %ne3A_266 = arith.cmpi ne, %rem3A_264, %ne3A_265 : i32
      %lt3A_267 = arith.constant 0 : i32
      %lt3A_268 = arith.cmpi slt, %rem3A_264, %lt3A_267 : i32
      %lt3A_269 = arith.constant 0 : i32
      %lt3A_270 = arith.cmpi slt, %select_n3A_263, %lt3A_269 : i32
      %ne3A_271 = arith.xori %lt3A_268, %lt3A_270 : i1
      %and3A_272 = arith.andi %ne3A_271, %ne3A_266 : i1
      %add3A_273 = arith.addi %rem3A_264, %select_n3A_263 : i32
      %select_n3A_274 = arith.select %and3A_272, %add3A_273, %rem3A_264 : i32
      %mul3A_275 = arith.constant 4096 : i32
      %mul3A_276 = arith.muli %select_n3A_258, %mul3A_275 : i32
      %add3A_277 = arith.addi %mul3A_276, %mul3A_2 : i32
      %mul3A_278 = arith.constant 8 : i32
      %mul3A_279 = arith.muli %select_n3A_274, %mul3A_278 : i32
      %add3A_280 = arith.addi %add3A_277, %mul3A_279 : i32
      %dma_wait3A_281 = arith.constant 0 : i32
      %dma_wait3A_282 = tpu.memref_slice %arg2[%add3A_280, %dma_wait3A_281] : memref<8192x2048xf32, #tpu.memory_space<hbm>> -> memref<8x2048xf32, #tpu.memory_space<hbm>>
      %dma_wait3A_283 = arith.constant 0 : i32
      %dma_wait3A_284 = tpu.memref_slice %arg2[%add3A_280, %dma_wait3A_283] : memref<8192x2048xf32, #tpu.memory_space<hbm>> -> memref<8x2048xf32, #tpu.memory_space<hbm>>
      tpu.wait_dma2 semaphore(%arg12 : memref<!tpu.dma_semaphore, #tpu.memory_space<semaphore_mem>>) src(%dma_wait3A_284 : memref<8x2048xf32, #tpu.memory_space<hbm>>) dst(%arg7 : memref<8x2048xf32, #tpu.memory_space<vmem>>)
      %gt3A_285 = arith.constant 0 : i32
      %gt3A_286 = arith.cmpi sgt, %scan3A_47, %gt3A_285 : i32
      %convert_element_type3A_287 = arith.extui %gt3A_286 : i1 to i32
      %cond3A_288 = arith.constant 0 : i32
      %cond3A_289 = arith.cmpi ne, %convert_element_type3A_287, %cond3A_288 : i32
      scf.if %cond3A_289 {
        %sub3A_429 = arith.constant 2 : i32
        %sub3A_430 = arith.subi %add3A_234, %sub3A_429 : i32
        %jit3A_431 = arith.constant 16 : i32
        %div3A_432 = arith.divsi %sub3A_430, %jit3A_431 : i32
        %sign3A_433 = arith.constant 0 : i32
        %sign3A_434 = arith.cmpi sgt, %sub3A_430, %sign3A_433 : i32
        %sign3A_435 = arith.extui %sign3A_434 : i1 to i32
        %sign3A_436 = arith.constant 0 : i32
        %sign3A_437 = arith.cmpi slt, %sub3A_430, %sign3A_436 : i32
        %sign3A_438 = arith.extui %sign3A_437 : i1 to i32
        %sign3A_439 = arith.subi %sign3A_435, %sign3A_438 : i32
        %sign3A_440 = arith.constant 0 : i32
        %sign3A_441 = arith.cmpi sgt, %jit3A_431, %sign3A_440 : i32
        %sign3A_442 = arith.extui %sign3A_441 : i1 to i32
        %sign3A_443 = arith.constant 0 : i32
        %sign3A_444 = arith.cmpi slt, %jit3A_431, %sign3A_443 : i32
        %sign3A_445 = arith.extui %sign3A_444 : i1 to i32
        %sign3A_446 = arith.subi %sign3A_442, %sign3A_445 : i32
        %ne3A_447 = arith.cmpi ne, %sign3A_439, %sign3A_446 : i32
        %rem3A_448 = arith.remsi %sub3A_430, %jit3A_431 : i32
        %ne3A_449 = arith.constant 0 : i32
        %ne3A_450 = arith.cmpi ne, %rem3A_448, %ne3A_449 : i32
        %and3A_451 = arith.andi %ne3A_447, %ne3A_450 : i1
        %sub3A_452 = arith.constant 1 : i32
        %sub3A_453 = arith.subi %div3A_432, %sub3A_452 : i32
        %select_n3A_454 = arith.select %and3A_451, %sub3A_453, %div3A_432 : i32
        %jit3A_455 = arith.constant 16 : i32
        %eq3A_456 = arith.constant 0 : i32
        %eq3A_457 = arith.cmpi eq, %jit3A_455, %eq3A_456 : i32
        %jit3A_458 = arith.constant 1 : i32
        %select_n3A_459 = arith.select %eq3A_457, %jit3A_458, %jit3A_455 : i32
        %rem3A_460 = arith.remsi %sub3A_430, %select_n3A_459 : i32
        %ne3A_461 = arith.constant 0 : i32
        %ne3A_462 = arith.cmpi ne, %rem3A_460, %ne3A_461 : i32
        %lt3A_463 = arith.constant 0 : i32
        %lt3A_464 = arith.cmpi slt, %rem3A_460, %lt3A_463 : i32
        %lt3A_465 = arith.constant 0 : i32
        %lt3A_466 = arith.cmpi slt, %select_n3A_459, %lt3A_465 : i32
        %ne3A_467 = arith.xori %lt3A_464, %lt3A_466 : i1
        %and3A_468 = arith.andi %ne3A_467, %ne3A_462 : i1
        %add3A_469 = arith.addi %rem3A_460, %select_n3A_459 : i32
        %select_n3A_470 = arith.select %and3A_468, %add3A_469, %rem3A_460 : i32
        %mul3A_471 = arith.constant 4096 : i32
        %mul3A_472 = arith.muli %select_n3A_454, %mul3A_471 : i32
        %add3A_473 = arith.addi %mul3A_472, %mul3A_2 : i32
        %mul3A_474 = arith.constant 8 : i32
        %mul3A_475 = arith.muli %select_n3A_470, %mul3A_474 : i32
        %add3A_476 = arith.addi %add3A_473, %mul3A_475 : i32
        %dma_wait3A_477 = arith.constant 0 : i32
        %dma_wait3A_478 = tpu.memref_slice %arg4[%add3A_476, %dma_wait3A_477] : memref<8192x2048xf32, #tpu.memory_space<hbm>> -> memref<8x2048xf32, #tpu.memory_space<hbm>>
        %dma_wait3A_479 = arith.constant 0 : i32
        %dma_wait3A_480 = tpu.memref_slice %arg4[%add3A_476, %dma_wait3A_479] : memref<8192x2048xf32, #tpu.memory_space<hbm>> -> memref<8x2048xf32, #tpu.memory_space<hbm>>
        tpu.wait_dma2 semaphore(%arg14 : memref<!tpu.dma_semaphore, #tpu.memory_space<semaphore_mem>>) src(%arg9 : memref<8x2048xf32, #tpu.memory_space<vmem>>) dst(%dma_wait3A_480 : memref<8x2048xf32, #tpu.memory_space<hbm>>)
      } else {
      }
      %jit3A_290 = arith.constant 16 : i32
      %eq3A_291 = arith.constant 0 : i32
      %eq3A_292 = arith.cmpi eq, %jit3A_290, %eq3A_291 : i32
      %jit3A_293 = arith.constant 1 : i32
      %select_n3A_294 = arith.select %eq3A_292, %jit3A_293, %jit3A_290 : i32
      %rem3A_295 = arith.remsi %add3A_234, %select_n3A_294 : i32
      %ne3A_296 = arith.constant 0 : i32
      %ne3A_297 = arith.cmpi ne, %rem3A_295, %ne3A_296 : i32
      %lt3A_298 = arith.constant 0 : i32
      %lt3A_299 = arith.cmpi slt, %rem3A_295, %lt3A_298 : i32
      %lt3A_300 = arith.constant 0 : i32
      %lt3A_301 = arith.cmpi slt, %select_n3A_294, %lt3A_300 : i32
      %ne3A_302 = arith.xori %lt3A_299, %lt3A_301 : i1
      %and3A_303 = arith.andi %ne3A_302, %ne3A_297 : i1
      %add3A_304 = arith.addi %rem3A_295, %select_n3A_294 : i32
      %select_n3A_305 = arith.select %and3A_303, %add3A_304, %rem3A_295 : i32
      %mul3A_306 = arith.constant 8 : i32
      %mul3A_307 = arith.muli %select_n3A_305, %mul3A_306 : i32
      %add3A_308 = arith.constant 0 : i32
      %add3A_309 = arith.addi %mul3A_307, %add3A_308 : i32
      %get3A_310 = arith.index_cast %add3A_309 : i32 to index
      %get3A_311 = arith.constant 0 : index
      %get3A_312 = tpu.vector_load %arg5[%get3A_310, %get3A_311] {strides = array<i32>} : memref<128x16xf32, #tpu.memory_space<vmem>>, vector<1x16xf32>,
      %get3A_313 = vector.shape_cast %get3A_312 : vector<1x16xf32> to vector<16xf32>
      %mul3A_314 = arith.constant 8 : i32
      %mul3A_315 = arith.muli %select_n3A_305, %mul3A_314 : i32
      %add3A_316 = arith.constant 1 : i32
      %add3A_317 = arith.addi %mul3A_315, %add3A_316 : i32
      %get3A_318 = arith.index_cast %add3A_317 : i32 to index
      %get3A_319 = arith.constant 0 : index
      %get3A_320 = tpu.vector_load %arg5[%get3A_318, %get3A_319] {strides = array<i32>} : memref<128x16xf32, #tpu.memory_space<vmem>>, vector<1x16xf32>,
      %get3A_321 = vector.shape_cast %get3A_320 : vector<1x16xf32> to vector<16xf32>
      %mul3A_322 = arith.constant 8 : i32
      %mul3A_323 = arith.muli %select_n3A_305, %mul3A_322 : i32
      %add3A_324 = arith.constant 2 : i32
      %add3A_325 = arith.addi %mul3A_323, %add3A_324 : i32
      %get3A_326 = arith.index_cast %add3A_325 : i32 to index
      %get3A_327 = arith.constant 0 : index
      %get3A_328 = tpu.vector_load %arg5[%get3A_326, %get3A_327] {strides = array<i32>} : memref<128x16xf32, #tpu.memory_space<vmem>>, vector<1x16xf32>,
      %get3A_329 = vector.shape_cast %get3A_328 : vector<1x16xf32> to vector<16xf32>
      %mul3A_330 = arith.constant 8 : i32
      %mul3A_331 = arith.muli %select_n3A_305, %mul3A_330 : i32
      %add3A_332 = arith.constant 3 : i32
      %add3A_333 = arith.addi %mul3A_331, %add3A_332 : i32
      %get3A_334 = arith.index_cast %add3A_333 : i32 to index
      %get3A_335 = arith.constant 0 : index
      %get3A_336 = tpu.vector_load %arg5[%get3A_334, %get3A_335] {strides = array<i32>} : memref<128x16xf32, #tpu.memory_space<vmem>>, vector<1x16xf32>,
      %get3A_337 = vector.shape_cast %get3A_336 : vector<1x16xf32> to vector<16xf32>
      %mul3A_338 = arith.constant 8 : i32
      %mul3A_339 = arith.muli %select_n3A_305, %mul3A_338 : i32
      %add3A_340 = arith.constant 4 : i32
      %add3A_341 = arith.addi %mul3A_339, %add3A_340 : i32
      %get3A_342 = arith.index_cast %add3A_341 : i32 to index
      %get3A_343 = arith.constant 0 : index
      %get3A_344 = tpu.vector_load %arg5[%get3A_342, %get3A_343] {strides = array<i32>} : memref<128x16xf32, #tpu.memory_space<vmem>>, vector<1x16xf32>,
      %get3A_345 = vector.shape_cast %get3A_344 : vector<1x16xf32> to vector<16xf32>
      %mul3A_346 = arith.constant 8 : i32
      %mul3A_347 = arith.muli %select_n3A_305, %mul3A_346 : i32
      %add3A_348 = arith.constant 5 : i32
      %add3A_349 = arith.addi %mul3A_347, %add3A_348 : i32
      %get3A_350 = arith.index_cast %add3A_349 : i32 to index
      %get3A_351 = arith.constant 0 : index
      %get3A_352 = tpu.vector_load %arg5[%get3A_350, %get3A_351] {strides = array<i32>} : memref<128x16xf32, #tpu.memory_space<vmem>>, vector<1x16xf32>,
      %get3A_353 = vector.shape_cast %get3A_352 : vector<1x16xf32> to vector<16xf32>
      %mul3A_354 = arith.constant 8 : i32
      %mul3A_355 = arith.muli %select_n3A_305, %mul3A_354 : i32
      %add3A_356 = arith.constant 6 : i32
      %add3A_357 = arith.addi %mul3A_355, %add3A_356 : i32
      %get3A_358 = arith.index_cast %add3A_357 : i32 to index
      %get3A_359 = arith.constant 0 : index
      %get3A_360 = tpu.vector_load %arg5[%get3A_358, %get3A_359] {strides = array<i32>} : memref<128x16xf32, #tpu.memory_space<vmem>>, vector<1x16xf32>,
      %get3A_361 = vector.shape_cast %get3A_360 : vector<1x16xf32> to vector<16xf32>
      %mul3A_362 = arith.constant 8 : i32
      %mul3A_363 = arith.muli %select_n3A_305, %mul3A_362 : i32
      %add3A_364 = arith.constant 7 : i32
      %add3A_365 = arith.addi %mul3A_363, %add3A_364 : i32
      %get3A_366 = arith.index_cast %add3A_365 : i32 to index
      %get3A_367 = arith.constant 0 : index
      %get3A_368 = tpu.vector_load %arg5[%get3A_366, %get3A_367] {strides = array<i32>} : memref<128x16xf32, #tpu.memory_space<vmem>>, vector<1x16xf32>,
      %get3A_369 = vector.shape_cast %get3A_368 : vector<1x16xf32> to vector<16xf32>
      %parallel_loop3A_370 = arith.constant 0 : i32
      %parallel_loop3A_371 = arith.constant 128 : i32
      %parallel_loop3A_372 = arith.constant 1 : i32
      scf.for %parallel_loop3A_429 = %parallel_loop3A_370 to %parallel_loop3A_371 step %parallel_loop3A_372  : i32 {
        %parallel_loop3A_430 = arith.constant 16 : i32
        %parallel_loop3A_431 = arith.muli %parallel_loop3A_429, %parallel_loop3A_430 : i32
        %parallel_loop3A_432 = arith.constant 0 : i32
        %parallel_loop3A_433 = arith.index_cast %parallel_loop3A_432 : i32 to index
        %parallel_loop3A_434 = arith.index_cast %parallel_loop3A_431 : i32 to index
        %parallel_loop3A_435 = tpu.vector_load %arg7[%parallel_loop3A_433, %parallel_loop3A_434] {strides = array<i32>} : memref<8x2048xf32, #tpu.memory_space<vmem>>, vector<1x16xf32>,
        %parallel_loop3A_436 = vector.shape_cast %parallel_loop3A_435 : vector<1x16xf32> to vector<16xf32>
        %parallel_loop3A_437 = arith.mulf %parallel_loop3A_436, %get3A_313 : vector<16xf32>
        %parallel_loop3A_438 = arith.constant 16 : i32
        %parallel_loop3A_439 = arith.muli %parallel_loop3A_429, %parallel_loop3A_438 : i32
        %parallel_loop3A_440 = arith.constant 0 : i32
        %parallel_loop3A_441 = arith.index_cast %parallel_loop3A_440 : i32 to index
        %parallel_loop3A_442 = arith.index_cast %parallel_loop3A_439 : i32 to index
        %parallel_loop3A_443 = tpu.vector_load %arg9[%parallel_loop3A_441, %parallel_loop3A_442] {strides = array<i32>} : memref<8x2048xf32, #tpu.memory_space<vmem>>, vector<1x16xf32>,
        %parallel_loop3A_444 = vector.shape_cast %parallel_loop3A_443 : vector<1x16xf32> to vector<16xf32>
        %parallel_loop3A_445 = vector.shape_cast %parallel_loop3A_437 : vector<16xf32> to vector<1x16xf32>
        tpu.vector_store %arg9[%parallel_loop3A_441, %parallel_loop3A_442], %parallel_loop3A_445 {strides = array<i32>} : memref<8x2048xf32, #tpu.memory_space<vmem>>, vector<1x16xf32>,
        %parallel_loop3A_446 = arith.constant 16 : i32
        %parallel_loop3A_447 = arith.muli %parallel_loop3A_429, %parallel_loop3A_446 : i32
        %parallel_loop3A_448 = arith.constant 1 : i32
        %parallel_loop3A_449 = arith.index_cast %parallel_loop3A_448 : i32 to index
        %parallel_loop3A_450 = arith.index_cast %parallel_loop3A_447 : i32 to index
        %parallel_loop3A_451 = tpu.vector_load %arg7[%parallel_loop3A_449, %parallel_loop3A_450] {strides = array<i32>} : memref<8x2048xf32, #tpu.memory_space<vmem>>, vector<1x16xf32>,
        %parallel_loop3A_452 = vector.shape_cast %parallel_loop3A_451 : vector<1x16xf32> to vector<16xf32>
        %parallel_loop3A_453 = arith.mulf %parallel_loop3A_452, %get3A_321 : vector<16xf32>
        %parallel_loop3A_454 = arith.constant 16 : i32
        %parallel_loop3A_455 = arith.muli %parallel_loop3A_429, %parallel_loop3A_454 : i32
        %parallel_loop3A_456 = arith.constant 1 : i32
        %parallel_loop3A_457 = arith.index_cast %parallel_loop3A_456 : i32 to index
        %parallel_loop3A_458 = arith.index_cast %parallel_loop3A_455 : i32 to index
        %parallel_loop3A_459 = tpu.vector_load %arg9[%parallel_loop3A_457, %parallel_loop3A_458] {strides = array<i32>} : memref<8x2048xf32, #tpu.memory_space<vmem>>, vector<1x16xf32>,
        %parallel_loop3A_460 = vector.shape_cast %parallel_loop3A_459 : vector<1x16xf32> to vector<16xf32>
        %parallel_loop3A_461 = vector.shape_cast %parallel_loop3A_453 : vector<16xf32> to vector<1x16xf32>
        tpu.vector_store %arg9[%parallel_loop3A_457, %parallel_loop3A_458], %parallel_loop3A_461 {strides = array<i32>} : memref<8x2048xf32, #tpu.memory_space<vmem>>, vector<1x16xf32>,
        %parallel_loop3A_462 = arith.constant 16 : i32
        %parallel_loop3A_463 = arith.muli %parallel_loop3A_429, %parallel_loop3A_462 : i32
        %parallel_loop3A_464 = arith.constant 2 : i32
        %parallel_loop3A_465 = arith.index_cast %parallel_loop3A_464 : i32 to index
        %parallel_loop3A_466 = arith.index_cast %parallel_loop3A_463 : i32 to index
        %parallel_loop3A_467 = tpu.vector_load %arg7[%parallel_loop3A_465, %parallel_loop3A_466] {strides = array<i32>} : memref<8x2048xf32, #tpu.memory_space<vmem>>, vector<1x16xf32>,
        %parallel_loop3A_468 = vector.shape_cast %parallel_loop3A_467 : vector<1x16xf32> to vector<16xf32>
        %parallel_loop3A_469 = arith.mulf %parallel_loop3A_468, %get3A_329 : vector<16xf32>
        %parallel_loop3A_470 = arith.constant 16 : i32
        %parallel_loop3A_471 = arith.muli %parallel_loop3A_429, %parallel_loop3A_470 : i32
        %parallel_loop3A_472 = arith.constant 2 : i32
        %parallel_loop3A_473 = arith.index_cast %parallel_loop3A_472 : i32 to index
        %parallel_loop3A_474 = arith.index_cast %parallel_loop3A_471 : i32 to index
        %parallel_loop3A_475 = tpu.vector_load %arg9[%parallel_loop3A_473, %parallel_loop3A_474] {strides = array<i32>} : memref<8x2048xf32, #tpu.memory_space<vmem>>, vector<1x16xf32>,
        %parallel_loop3A_476 = vector.shape_cast %parallel_loop3A_475 : vector<1x16xf32> to vector<16xf32>
        %parallel_loop3A_477 = vector.shape_cast %parallel_loop3A_469 : vector<16xf32> to vector<1x16xf32>
        tpu.vector_store %arg9[%parallel_loop3A_473, %parallel_loop3A_474], %parallel_loop3A_477 {strides = array<i32>} : memref<8x2048xf32, #tpu.memory_space<vmem>>, vector<1x16xf32>,
        %parallel_loop3A_478 = arith.constant 16 : i32
        %parallel_loop3A_479 = arith.muli %parallel_loop3A_429, %parallel_loop3A_478 : i32
        %parallel_loop3A_480 = arith.constant 3 : i32
        %parallel_loop3A_481 = arith.index_cast %parallel_loop3A_480 : i32 to index
        %parallel_loop3A_482 = arith.index_cast %parallel_loop3A_479 : i32 to index
        %parallel_loop3A_483 = tpu.vector_load %arg7[%parallel_loop3A_481, %parallel_loop3A_482] {strides = array<i32>} : memref<8x2048xf32, #tpu.memory_space<vmem>>, vector<1x16xf32>,
        %parallel_loop3A_484 = vector.shape_cast %parallel_loop3A_483 : vector<1x16xf32> to vector<16xf32>
        %parallel_loop3A_485 = arith.mulf %parallel_loop3A_484, %get3A_337 : vector<16xf32>
        %parallel_loop3A_486 = arith.constant 16 : i32
        %parallel_loop3A_487 = arith.muli %parallel_loop3A_429, %parallel_loop3A_486 : i32
        %parallel_loop3A_488 = arith.constant 3 : i32
        %parallel_loop3A_489 = arith.index_cast %parallel_loop3A_488 : i32 to index
        %parallel_loop3A_490 = arith.index_cast %parallel_loop3A_487 : i32 to index
        %parallel_loop3A_491 = tpu.vector_load %arg9[%parallel_loop3A_489, %parallel_loop3A_490] {strides = array<i32>} : memref<8x2048xf32, #tpu.memory_space<vmem>>, vector<1x16xf32>,
        %parallel_loop3A_492 = vector.shape_cast %parallel_loop3A_491 : vector<1x16xf32> to vector<16xf32>
        %parallel_loop3A_493 = vector.shape_cast %parallel_loop3A_485 : vector<16xf32> to vector<1x16xf32>
        tpu.vector_store %arg9[%parallel_loop3A_489, %parallel_loop3A_490], %parallel_loop3A_493 {strides = array<i32>} : memref<8x2048xf32, #tpu.memory_space<vmem>>, vector<1x16xf32>,
        %parallel_loop3A_494 = arith.constant 16 : i32
        %parallel_loop3A_495 = arith.muli %parallel_loop3A_429, %parallel_loop3A_494 : i32
        %parallel_loop3A_496 = arith.constant 4 : i32
        %parallel_loop3A_497 = arith.index_cast %parallel_loop3A_496 : i32 to index
        %parallel_loop3A_498 = arith.index_cast %parallel_loop3A_495 : i32 to index
        %parallel_loop3A_499 = tpu.vector_load %arg7[%parallel_loop3A_497, %parallel_loop3A_498] {strides = array<i32>} : memref<8x2048xf32, #tpu.memory_space<vmem>>, vector<1x16xf32>,
        %parallel_loop3A_500 = vector.shape_cast %parallel_loop3A_499 : vector<1x16xf32> to vector<16xf32>
        %parallel_loop3A_501 = arith.mulf %parallel_loop3A_500, %get3A_345 : vector<16xf32>
        %parallel_loop3A_502 = arith.constant 16 : i32
        %parallel_loop3A_503 = arith.muli %parallel_loop3A_429, %parallel_loop3A_502 : i32
        %parallel_loop3A_504 = arith.constant 4 : i32
        %parallel_loop3A_505 = arith.index_cast %parallel_loop3A_504 : i32 to index
        %parallel_loop3A_506 = arith.index_cast %parallel_loop3A_503 : i32 to index
        %parallel_loop3A_507 = tpu.vector_load %arg9[%parallel_loop3A_505, %parallel_loop3A_506] {strides = array<i32>} : memref<8x2048xf32, #tpu.memory_space<vmem>>, vector<1x16xf32>,
        %parallel_loop3A_508 = vector.shape_cast %parallel_loop3A_507 : vector<1x16xf32> to vector<16xf32>
        %parallel_loop3A_509 = vector.shape_cast %parallel_loop3A_501 : vector<16xf32> to vector<1x16xf32>
        tpu.vector_store %arg9[%parallel_loop3A_505, %parallel_loop3A_506], %parallel_loop3A_509 {strides = array<i32>} : memref<8x2048xf32, #tpu.memory_space<vmem>>, vector<1x16xf32>,
        %parallel_loop3A_510 = arith.constant 16 : i32
        %parallel_loop3A_511 = arith.muli %parallel_loop3A_429, %parallel_loop3A_510 : i32
        %parallel_loop3A_512 = arith.constant 5 : i32
        %parallel_loop3A_513 = arith.index_cast %parallel_loop3A_512 : i32 to index
        %parallel_loop3A_514 = arith.index_cast %parallel_loop3A_511 : i32 to index
        %parallel_loop3A_515 = tpu.vector_load %arg7[%parallel_loop3A_513, %parallel_loop3A_514] {strides = array<i32>} : memref<8x2048xf32, #tpu.memory_space<vmem>>, vector<1x16xf32>,
        %parallel_loop3A_516 = vector.shape_cast %parallel_loop3A_515 : vector<1x16xf32> to vector<16xf32>
        %parallel_loop3A_517 = arith.mulf %parallel_loop3A_516, %get3A_353 : vector<16xf32>
        %parallel_loop3A_518 = arith.constant 16 : i32
        %parallel_loop3A_519 = arith.muli %parallel_loop3A_429, %parallel_loop3A_518 : i32
        %parallel_loop3A_520 = arith.constant 5 : i32
        %parallel_loop3A_521 = arith.index_cast %parallel_loop3A_520 : i32 to index
        %parallel_loop3A_522 = arith.index_cast %parallel_loop3A_519 : i32 to index
        %parallel_loop3A_523 = tpu.vector_load %arg9[%parallel_loop3A_521, %parallel_loop3A_522] {strides = array<i32>} : memref<8x2048xf32, #tpu.memory_space<vmem>>, vector<1x16xf32>,
        %parallel_loop3A_524 = vector.shape_cast %parallel_loop3A_523 : vector<1x16xf32> to vector<16xf32>
        %parallel_loop3A_525 = vector.shape_cast %parallel_loop3A_517 : vector<16xf32> to vector<1x16xf32>
        tpu.vector_store %arg9[%parallel_loop3A_521, %parallel_loop3A_522], %parallel_loop3A_525 {strides = array<i32>} : memref<8x2048xf32, #tpu.memory_space<vmem>>, vector<1x16xf32>,
        %parallel_loop3A_526 = arith.constant 16 : i32
        %parallel_loop3A_527 = arith.muli %parallel_loop3A_429, %parallel_loop3A_526 : i32
        %parallel_loop3A_528 = arith.constant 6 : i32
        %parallel_loop3A_529 = arith.index_cast %parallel_loop3A_528 : i32 to index
        %parallel_loop3A_530 = arith.index_cast %parallel_loop3A_527 : i32 to index
        %parallel_loop3A_531 = tpu.vector_load %arg7[%parallel_loop3A_529, %parallel_loop3A_530] {strides = array<i32>} : memref<8x2048xf32, #tpu.memory_space<vmem>>, vector<1x16xf32>,
        %parallel_loop3A_532 = vector.shape_cast %parallel_loop3A_531 : vector<1x16xf32> to vector<16xf32>
        %parallel_loop3A_533 = arith.mulf %parallel_loop3A_532, %get3A_361 : vector<16xf32>
        %parallel_loop3A_534 = arith.constant 16 : i32
        %parallel_loop3A_535 = arith.muli %parallel_loop3A_429, %parallel_loop3A_534 : i32
        %parallel_loop3A_536 = arith.constant 6 : i32
        %parallel_loop3A_537 = arith.index_cast %parallel_loop3A_536 : i32 to index
        %parallel_loop3A_538 = arith.index_cast %parallel_loop3A_535 : i32 to index
        %parallel_loop3A_539 = tpu.vector_load %arg9[%parallel_loop3A_537, %parallel_loop3A_538] {strides = array<i32>} : memref<8x2048xf32, #tpu.memory_space<vmem>>, vector<1x16xf32>,
        %parallel_loop3A_540 = vector.shape_cast %parallel_loop3A_539 : vector<1x16xf32> to vector<16xf32>
        %parallel_loop3A_541 = vector.shape_cast %parallel_loop3A_533 : vector<16xf32> to vector<1x16xf32>
        tpu.vector_store %arg9[%parallel_loop3A_537, %parallel_loop3A_538], %parallel_loop3A_541 {strides = array<i32>} : memref<8x2048xf32, #tpu.memory_space<vmem>>, vector<1x16xf32>,
        %parallel_loop3A_542 = arith.constant 16 : i32
        %parallel_loop3A_543 = arith.muli %parallel_loop3A_429, %parallel_loop3A_542 : i32
        %parallel_loop3A_544 = arith.constant 7 : i32
        %parallel_loop3A_545 = arith.index_cast %parallel_loop3A_544 : i32 to index
        %parallel_loop3A_546 = arith.index_cast %parallel_loop3A_543 : i32 to index
        %parallel_loop3A_547 = tpu.vector_load %arg7[%parallel_loop3A_545, %parallel_loop3A_546] {strides = array<i32>} : memref<8x2048xf32, #tpu.memory_space<vmem>>, vector<1x16xf32>,
        %parallel_loop3A_548 = vector.shape_cast %parallel_loop3A_547 : vector<1x16xf32> to vector<16xf32>
        %parallel_loop3A_549 = arith.mulf %parallel_loop3A_548, %get3A_369 : vector<16xf32>
        %parallel_loop3A_550 = arith.constant 16 : i32
        %parallel_loop3A_551 = arith.muli %parallel_loop3A_429, %parallel_loop3A_550 : i32
        %parallel_loop3A_552 = arith.constant 7 : i32
        %parallel_loop3A_553 = arith.index_cast %parallel_loop3A_552 : i32 to index
        %parallel_loop3A_554 = arith.index_cast %parallel_loop3A_551 : i32 to index
        %parallel_loop3A_555 = tpu.vector_load %arg9[%parallel_loop3A_553, %parallel_loop3A_554] {strides = array<i32>} : memref<8x2048xf32, #tpu.memory_space<vmem>>, vector<1x16xf32>,
        %parallel_loop3A_556 = vector.shape_cast %parallel_loop3A_555 : vector<1x16xf32> to vector<16xf32>
        %parallel_loop3A_557 = vector.shape_cast %parallel_loop3A_549 : vector<16xf32> to vector<1x16xf32>
        tpu.vector_store %arg9[%parallel_loop3A_553, %parallel_loop3A_554], %parallel_loop3A_557 {strides = array<i32>} : memref<8x2048xf32, #tpu.memory_space<vmem>>, vector<1x16xf32>,
      } {sc.loop_unroll_factor = 2 : i64, sc.parallel_access}
      %lt3A_373 = arith.constant 15 : i32
      %lt3A_374 = arith.cmpi slt, %scan3A_47, %lt3A_373 : i32
      %convert_element_type3A_375 = arith.extui %lt3A_374 : i1 to i32
      %cond3A_376 = arith.constant 0 : i32
      %cond3A_377 = arith.cmpi ne, %convert_element_type3A_375, %cond3A_376 : i32
      scf.if %cond3A_377 {
        %add3A_429 = arith.constant 2 : i32
        %add3A_430 = arith.addi %add3A_234, %add3A_429 : i32
        %jit3A_431 = arith.constant 16 : i32
        %div3A_432 = arith.divsi %add3A_430, %jit3A_431 : i32
        %sign3A_433 = arith.constant 0 : i32
        %sign3A_434 = arith.cmpi sgt, %add3A_430, %sign3A_433 : i32
        %sign3A_435 = arith.extui %sign3A_434 : i1 to i32
        %sign3A_436 = arith.constant 0 : i32
        %sign3A_437 = arith.cmpi slt, %add3A_430, %sign3A_436 : i32
        %sign3A_438 = arith.extui %sign3A_437 : i1 to i32
        %sign3A_439 = arith.subi %sign3A_435, %sign3A_438 : i32
        %sign3A_440 = arith.constant 0 : i32
        %sign3A_441 = arith.cmpi sgt, %jit3A_431, %sign3A_440 : i32
        %sign3A_442 = arith.extui %sign3A_441 : i1 to i32
        %sign3A_443 = arith.constant 0 : i32
        %sign3A_444 = arith.cmpi slt, %jit3A_431, %sign3A_443 : i32
        %sign3A_445 = arith.extui %sign3A_444 : i1 to i32
        %sign3A_446 = arith.subi %sign3A_442, %sign3A_445 : i32
        %ne3A_447 = arith.cmpi ne, %sign3A_439, %sign3A_446 : i32
        %rem3A_448 = arith.remsi %add3A_430, %jit3A_431 : i32
        %ne3A_449 = arith.constant 0 : i32
        %ne3A_450 = arith.cmpi ne, %rem3A_448, %ne3A_449 : i32
        %and3A_451 = arith.andi %ne3A_447, %ne3A_450 : i1
        %sub3A_452 = arith.constant 1 : i32
        %sub3A_453 = arith.subi %div3A_432, %sub3A_452 : i32
        %select_n3A_454 = arith.select %and3A_451, %sub3A_453, %div3A_432 : i32
        %jit3A_455 = arith.constant 16 : i32
        %eq3A_456 = arith.constant 0 : i32
        %eq3A_457 = arith.cmpi eq, %jit3A_455, %eq3A_456 : i32
        %jit3A_458 = arith.constant 1 : i32
        %select_n3A_459 = arith.select %eq3A_457, %jit3A_458, %jit3A_455 : i32
        %rem3A_460 = arith.remsi %add3A_430, %select_n3A_459 : i32
        %ne3A_461 = arith.constant 0 : i32
        %ne3A_462 = arith.cmpi ne, %rem3A_460, %ne3A_461 : i32
        %lt3A_463 = arith.constant 0 : i32
        %lt3A_464 = arith.cmpi slt, %rem3A_460, %lt3A_463 : i32
        %lt3A_465 = arith.constant 0 : i32
        %lt3A_466 = arith.cmpi slt, %select_n3A_459, %lt3A_465 : i32
        %ne3A_467 = arith.xori %lt3A_464, %lt3A_466 : i1
        %and3A_468 = arith.andi %ne3A_467, %ne3A_462 : i1
        %add3A_469 = arith.addi %rem3A_460, %select_n3A_459 : i32
        %select_n3A_470 = arith.select %and3A_468, %add3A_469, %rem3A_460 : i32
        %mul3A_471 = arith.constant 4096 : i32
        %mul3A_472 = arith.muli %select_n3A_454, %mul3A_471 : i32
        %add3A_473 = arith.addi %mul3A_472, %mul3A_2 : i32
        %mul3A_474 = arith.constant 8 : i32
        %mul3A_475 = arith.muli %select_n3A_470, %mul3A_474 : i32
        %add3A_476 = arith.addi %add3A_473, %mul3A_475 : i32
        %dma_start3A_477 = arith.constant 0 : i32
        %dma_start3A_478 = tpu.memref_slice %arg2[%add3A_476, %dma_start3A_477] : memref<8192x2048xf32, #tpu.memory_space<hbm>> -> memref<8x2048xf32, #tpu.memory_space<hbm>>
        %dma_start3A_479 = arith.constant 0 : i32
        %dma_start3A_480 = tpu.memref_slice %arg2[%add3A_476, %dma_start3A_479] : memref<8192x2048xf32, #tpu.memory_space<hbm>> -> memref<8x2048xf32, #tpu.memory_space<hbm>>
        tpu.enqueue_dma source(%dma_start3A_480 : memref<8x2048xf32, #tpu.memory_space<hbm>>) target(%arg7 : memref<8x2048xf32, #tpu.memory_space<vmem>>) target_semaphore(%arg12 : memref<!tpu.dma_semaphore, #tpu.memory_space<semaphore_mem>>)
      } else {
      }
      %jit3A_378 = arith.constant 16 : i32
      %div3A_379 = arith.divsi %add3A_234, %jit3A_378 : i32
      %sign3A_380 = arith.constant 0 : i32
      %sign3A_381 = arith.cmpi sgt, %add3A_234, %sign3A_380 : i32
      %sign3A_382 = arith.extui %sign3A_381 : i1 to i32
      %sign3A_383 = arith.constant 0 : i32
      %sign3A_384 = arith.cmpi slt, %add3A_234, %sign3A_383 : i32
      %sign3A_385 = arith.extui %sign3A_384 : i1 to i32
      %sign3A_386 = arith.subi %sign3A_382, %sign3A_385 : i32
      %sign3A_387 = arith.constant 0 : i32
      %sign3A_388 = arith.cmpi sgt, %jit3A_378, %sign3A_387 : i32
      %sign3A_389 = arith.extui %sign3A_388 : i1 to i32
      %sign3A_390 = arith.constant 0 : i32
      %sign3A_391 = arith.cmpi slt, %jit3A_378, %sign3A_390 : i32
      %sign3A_392 = arith.extui %sign3A_391 : i1 to i32
      %sign3A_393 = arith.subi %sign3A_389, %sign3A_392 : i32
      %ne3A_394 = arith.cmpi ne, %sign3A_386, %sign3A_393 : i32
      %rem3A_395 = arith.remsi %add3A_234, %jit3A_378 : i32
      %ne3A_396 = arith.constant 0 : i32
      %ne3A_397 = arith.cmpi ne, %rem3A_395, %ne3A_396 : i32
      %and3A_398 = arith.andi %ne3A_394, %ne3A_397 : i1
      %sub3A_399 = arith.constant 1 : i32
      %sub3A_400 = arith.subi %div3A_379, %sub3A_399 : i32
      %select_n3A_401 = arith.select %and3A_398, %sub3A_400, %div3A_379 : i32
      %jit3A_402 = arith.constant 16 : i32
      %eq3A_403 = arith.constant 0 : i32
      %eq3A_404 = arith.cmpi eq, %jit3A_402, %eq3A_403 : i32
      %jit3A_405 = arith.constant 1 : i32
      %select_n3A_406 = arith.select %eq3A_404, %jit3A_405, %jit3A_402 : i32
      %rem3A_407 = arith.remsi %add3A_234, %select_n3A_406 : i32
      %ne3A_408 = arith.constant 0 : i32
      %ne3A_409 = arith.cmpi ne, %rem3A_407, %ne3A_408 : i32
      %lt3A_410 = arith.constant 0 : i32
      %lt3A_411 = arith.cmpi slt, %rem3A_407, %lt3A_410 : i32
      %lt3A_412 = arith.constant 0 : i32
      %lt3A_413 = arith.cmpi slt, %select_n3A_406, %lt3A_412 : i32
      %ne3A_414 = arith.xori %lt3A_411, %lt3A_413 : i1
      %and3A_415 = arith.andi %ne3A_414, %ne3A_409 : i1
      %add3A_416 = arith.addi %rem3A_407, %select_n3A_406 : i32
      %select_n3A_417 = arith.select %and3A_415, %add3A_416, %rem3A_407 : i32
      %mul3A_418 = arith.constant 4096 : i32
      %mul3A_419 = arith.muli %select_n3A_401, %mul3A_418 : i32
      %add3A_420 = arith.addi %mul3A_419, %mul3A_2 : i32
      %mul3A_421 = arith.constant 8 : i32
      %mul3A_422 = arith.muli %select_n3A_417, %mul3A_421 : i32
      %add3A_423 = arith.addi %add3A_420, %mul3A_422 : i32
      %dma_start3A_424 = arith.constant 0 : i32
      %dma_start3A_425 = tpu.memref_slice %arg4[%add3A_423, %dma_start3A_424] : memref<8192x2048xf32, #tpu.memory_space<hbm>> -> memref<8x2048xf32, #tpu.memory_space<hbm>>
      %dma_start3A_426 = arith.constant 0 : i32
      %dma_start3A_427 = tpu.memref_slice %arg4[%add3A_423, %dma_start3A_426] : memref<8192x2048xf32, #tpu.memory_space<hbm>> -> memref<8x2048xf32, #tpu.memory_space<hbm>>
      tpu.enqueue_dma source(%arg9 : memref<8x2048xf32, #tpu.memory_space<vmem>>) target(%dma_start3A_427 : memref<8x2048xf32, #tpu.memory_space<hbm>>) target_semaphore(%arg14 : memref<!tpu.dma_semaphore, #tpu.memory_space<semaphore_mem>>)
      %scan3A_428 = arith.constant 0 : i32
      scf.yield %scan3A_428 : i32
    }
    %scan3A_30 = arith.constant 16 : i32
    %add3A_31 = arith.constant 4096 : i32
    %add3A_32 = arith.addi %add3A_31, %mul3A_2 : i32
    %add3A_33 = arith.constant 112 : i32
    %add3A_34 = arith.addi %add3A_32, %add3A_33 : i32
    %dma_wait3A_35 = arith.constant 0 : i32
    %dma_wait3A_36 = tpu.memref_slice %arg4[%add3A_34, %dma_wait3A_35] : memref<8192x2048xf32, #tpu.memory_space<hbm>> -> memref<8x2048xf32, #tpu.memory_space<hbm>>
    %dma_wait3A_37 = arith.constant 0 : i32
    %dma_wait3A_38 = tpu.memref_slice %arg4[%add3A_34, %dma_wait3A_37] : memref<8192x2048xf32, #tpu.memory_space<hbm>> -> memref<8x2048xf32, #tpu.memory_space<hbm>>
    tpu.wait_dma2 semaphore(%arg13 : memref<!tpu.dma_semaphore, #tpu.memory_space<semaphore_mem>>) src(%arg8 : memref<8x2048xf32, #tpu.memory_space<vmem>>) dst(%dma_wait3A_38 : memref<8x2048xf32, #tpu.memory_space<hbm>>)
    %add3A_39 = arith.constant 4096 : i32
    %add3A_40 = arith.addi %add3A_39, %mul3A_2 : i32
    %add3A_41 = arith.constant 120 : i32
    %add3A_42 = arith.addi %add3A_40, %add3A_41 : i32
    %dma_wait3A_43 = arith.constant 0 : i32
    %dma_wait3A_44 = tpu.memref_slice %arg4[%add3A_42, %dma_wait3A_43] : memref<8192x2048xf32, #tpu.memory_space<hbm>> -> memref<8x2048xf32, #tpu.memory_space<hbm>>
    %dma_wait3A_45 = arith.constant 0 : i32
    %dma_wait3A_46 = tpu.memref_slice %arg4[%add3A_42, %dma_wait3A_45] : memref<8192x2048xf32, #tpu.memory_space<hbm>> -> memref<8x2048xf32, #tpu.memory_space<hbm>>
    tpu.wait_dma2 semaphore(%arg14 : memref<!tpu.dma_semaphore, #tpu.memory_space<semaphore_mem>>) src(%arg9 : memref<8x2048xf32, #tpu.memory_space<vmem>>) dst(%dma_wait3A_46 : memref<8x2048xf32, #tpu.memory_space<hbm>>)
    return
  }
}

module attributes {stable_mosaic.version = 14 : i64} {
  func.func @_gate_kernel(%arg0: memref<64x4096xf32, #tpu.memory_space<vmem>>, %arg1: memref<64x4096xf32, #tpu.memory_space<vmem>>, %arg2: memref<64x4096xf32, #tpu.memory_space<vmem>>, %arg3: memref<1x4096xf32, #tpu.memory_space<vmem>>, %arg4: memref<1x4096xf32, #tpu.memory_space<vmem>>, %arg5: memref<4096x16xf32, #tpu.memory_space<vmem>>) attributes {dimension_semantics = [], scalar_prefetch = 0 : i64, scratch_operands = 0 : i64, tpu.core_type = #tpu.core_type<tc>} {
    %get3A = arith.constant 0 : index
    %get3A_0 = arith.constant 0 : index
    %get3A_1 = vector.load %arg2[%get3A, %get3A_0] : memref<64x4096xf32, #tpu.memory_space<vmem>>, vector<64x4096xf32>
    %logistic3A = arith.negf %get3A_1 : vector<64x4096xf32>
    %logistic3A_2 = math.exp %logistic3A : vector<64x4096xf32>
    %logistic3A_3 = arith.constant 1.000000e+00 : f32
    %logistic3A_4 = vector.broadcast %logistic3A_3 : f32 to vector<64x4096xf32>
    %logistic3A_5 = arith.addf %logistic3A_4, %logistic3A_2 : vector<64x4096xf32>
    %logistic3A_6 = arith.divf %logistic3A_4, %logistic3A_5 : vector<64x4096xf32>
    %get3A_7 = arith.constant 0 : index
    %get3A_8 = arith.constant 0 : index
    %get3A_9 = vector.load %arg0[%get3A_7, %get3A_8] : memref<64x4096xf32, #tpu.memory_space<vmem>>, vector<64x4096xf32>
    %lt3A = arith.cmpf olt, %get3A_9, %logistic3A_6 : vector<64x4096xf32>
    %convert_element_type3A = arith.extui %lt3A : vector<64x4096xi1> to vector<64x4096xi32>
    %convert_element_type3A_10 = arith.sitofp %convert_element_type3A : vector<64x4096xi32> to vector<64x4096xf32>
    %get3A_11 = arith.constant 0 : index
    %get3A_12 = arith.constant 0 : index
    %get3A_13 = vector.load %arg1[%get3A_11, %get3A_12] : memref<64x4096xf32, #tpu.memory_space<vmem>>, vector<64x4096xf32>
    %mul3A = arith.mulf %get3A_13, %convert_element_type3A_10 : vector<64x4096xf32>
    %reduce_sum3A = arith.constant dense<0.000000e+00> : vector<4096xf32>
    %reduce_sum3A_14 = vector.multi_reduction <add>, %mul3A, %reduce_sum3A [0] : vector<64x4096xf32> to vector<4096xf32>
    %neg3A = arith.constant 0.000000e+00 : f32
    %neg3A_15 = vector.broadcast %neg3A : f32 to vector<64x4096xf32>
    %neg3A_16 = arith.subf %neg3A_15, %get3A_1 : vector<64x4096xf32>
    %custom_jvp_call3A = arith.constant 0.000000e+00 : f32
    %max3A = vector.broadcast %custom_jvp_call3A : f32 to vector<64x4096xf32>
    %max3A_17 = arith.maximumf %neg3A_16, %max3A : vector<64x4096xf32>
    %sub3A = vector.broadcast %custom_jvp_call3A : f32 to vector<64x4096xf32>
    %sub3A_18 = arith.subf %neg3A_16, %sub3A : vector<64x4096xf32>
    %ne3A = arith.cmpf one, %sub3A_18, %sub3A_18 : vector<64x4096xf32>
    %add3A = vector.broadcast %custom_jvp_call3A : f32 to vector<64x4096xf32>
    %add3A_19 = arith.addf %neg3A_16, %add3A : vector<64x4096xf32>
    %abs3A = math.absf %sub3A_18 : vector<64x4096xf32>
    %neg3A_20 = arith.constant 0.000000e+00 : f32
    %neg3A_21 = vector.broadcast %neg3A_20 : f32 to vector<64x4096xf32>
    %neg3A_22 = arith.subf %neg3A_21, %abs3A : vector<64x4096xf32>
    %exp3A = math.exp %neg3A_22 : vector<64x4096xf32>
    %log1p3A = math.log1p %exp3A : vector<64x4096xf32>
    %add3A_23 = arith.addf %max3A_17, %log1p3A : vector<64x4096xf32>
    %select_n3A = arith.select %ne3A, %add3A_19, %add3A_23 : vector<64x4096xi1>, vector<64x4096xf32>
    %neg3A_24 = arith.constant 0.000000e+00 : f32
    %neg3A_25 = vector.broadcast %neg3A_24 : f32 to vector<64x4096xf32>
    %neg3A_26 = arith.subf %neg3A_25, %select_n3A : vector<64x4096xf32>
    %mul3A_27 = arith.mulf %convert_element_type3A_10, %neg3A_26 : vector<64x4096xf32>
    %sub3A_28 = arith.constant 1.000000e+00 : f32
    %sub3A_29 = vector.broadcast %sub3A_28 : f32 to vector<64x4096xf32>
    %sub3A_30 = arith.subf %sub3A_29, %convert_element_type3A_10 : vector<64x4096xf32>
    %neg3A_31 = arith.constant 0.000000e+00 : f32
    %neg3A_32 = vector.broadcast %neg3A_31 : f32 to vector<64x4096xf32>
    %neg3A_33 = arith.subf %neg3A_32, %get3A_1 : vector<64x4096xf32>
    %neg3A_34 = arith.constant 0.000000e+00 : f32
    %neg3A_35 = vector.broadcast %neg3A_34 : f32 to vector<64x4096xf32>
    %neg3A_36 = arith.subf %neg3A_35, %neg3A_33 : vector<64x4096xf32>
    %custom_jvp_call3A_37 = arith.constant 0.000000e+00 : f32
    %max3A_38 = vector.broadcast %custom_jvp_call3A_37 : f32 to vector<64x4096xf32>
    %max3A_39 = arith.maximumf %neg3A_36, %max3A_38 : vector<64x4096xf32>
    %sub3A_40 = vector.broadcast %custom_jvp_call3A_37 : f32 to vector<64x4096xf32>
    %sub3A_41 = arith.subf %neg3A_36, %sub3A_40 : vector<64x4096xf32>
    %ne3A_42 = arith.cmpf one, %sub3A_41, %sub3A_41 : vector<64x4096xf32>
    %add3A_43 = vector.broadcast %custom_jvp_call3A_37 : f32 to vector<64x4096xf32>
    %add3A_44 = arith.addf %neg3A_36, %add3A_43 : vector<64x4096xf32>
    %abs3A_45 = math.absf %sub3A_41 : vector<64x4096xf32>
    %neg3A_46 = arith.constant 0.000000e+00 : f32
    %neg3A_47 = vector.broadcast %neg3A_46 : f32 to vector<64x4096xf32>
    %neg3A_48 = arith.subf %neg3A_47, %abs3A_45 : vector<64x4096xf32>
    %exp3A_49 = math.exp %neg3A_48 : vector<64x4096xf32>
    %log1p3A_50 = math.log1p %exp3A_49 : vector<64x4096xf32>
    %add3A_51 = arith.addf %max3A_39, %log1p3A_50 : vector<64x4096xf32>
    %select_n3A_52 = arith.select %ne3A_42, %add3A_44, %add3A_51 : vector<64x4096xi1>, vector<64x4096xf32>
    %neg3A_53 = arith.constant 0.000000e+00 : f32
    %neg3A_54 = vector.broadcast %neg3A_53 : f32 to vector<64x4096xf32>
    %neg3A_55 = arith.subf %neg3A_54, %select_n3A_52 : vector<64x4096xf32>
    %mul3A_56 = arith.mulf %sub3A_30, %neg3A_55 : vector<64x4096xf32>
    %add3A_57 = arith.addf %mul3A_27, %mul3A_56 : vector<64x4096xf32>
    %get3A_58 = arith.constant 0 : index
    %get3A_59 = arith.constant 0 : index
    %get3A_60 = vector.load %arg3[%get3A_58, %get3A_59] : memref<1x4096xf32, #tpu.memory_space<vmem>>, vector<1x4096xf32>
    %reduce_sum3A_61 = arith.constant dense<0.000000e+00> : vector<4096xf32>
    %reduce_sum3A_62 = vector.multi_reduction <add>, %add3A_57, %reduce_sum3A_61 [0] : vector<64x4096xf32> to vector<4096xf32>
    %broadcast_in_dim3A = vector.shape_cast %reduce_sum3A_62 : vector<4096xf32> to vector<1x4096xf32>
    %add3A_63 = arith.addf %get3A_60, %broadcast_in_dim3A : vector<1x4096xf32>
    %swap3A = arith.constant 0 : index
    %swap3A_64 = arith.constant 0 : index
    %swap3A_65 = vector.load %arg4[%swap3A, %swap3A_64] : memref<1x4096xf32, #tpu.memory_space<vmem>>, vector<1x4096xf32>
    tpu.vector_store %arg4[%swap3A, %swap3A_64], %add3A_63 {strides = array<i32>} : memref<1x4096xf32, #tpu.memory_space<vmem>>, vector<1x4096xf32>,
    %broadcast_in_dim3A_66 = vector.shape_cast %reduce_sum3A_14 : vector<4096xf32> to vector<4096x1xf32>
    %broadcast_in_dim3A_67 = vector.shape_cast %broadcast_in_dim3A_66 : vector<4096x1xf32> to vector<4096x1xf32>
    %broadcast_in_dim3A_68 = vector.broadcast %broadcast_in_dim3A_67 : vector<4096x1xf32> to vector<4096x16xf32>
    %swap3A_69 = arith.constant 0 : index
    %swap3A_70 = arith.constant 0 : index
    %swap3A_71 = vector.load %arg5[%swap3A_69, %swap3A_70] : memref<4096x16xf32, #tpu.memory_space<vmem>>, vector<4096x16xf32>
    tpu.vector_store %arg5[%swap3A_69, %swap3A_70], %broadcast_in_dim3A_68 {strides = array<i32>} : memref<4096x16xf32, #tpu.memory_space<vmem>>, vector<4096x16xf32>,
    return
  }
}

</mosaic_0001>

<sc_bundles>
// kernel: kernel.4.cloned.1.call-start
scs
__scs_entry_jumppad:
0x0: {  	(pc) =	sbr.rel $0x88, $3  }
0x1: {  	(tag) =	ssettag $0x0;
	lr =	simm.s32 $0x1  }
0x2: {  	[smem:$0x3F9D] =	sst lr;
	_ =	strace $0xD0000000  }
0x3: {  	_ = 	snop  }
0x4: {  	_ = 	snop  }
0x5: {  	_ = 	snop  }
0x6: {  	_ = 	snop  }
0x7: {  	_ = 	snop  }
__scs_overlays_trampoline_lowered:
0x8: {  	[smem:$0x3FAC] =	sst s0  }
0x9: {  	[smem:$0x3FAD] =	sst s1  }
0xa: {  	[smem:$0x3FAE] =	sst s2  }
0xb: {  	[smem:$0x3FAF] =	sst s3  }
0xc: {  	[smem:$0x3FB0] =	sst s4  }
0xd: {  	[smem:$0x3FB1] =	sst s5  }
0xe: {  	[smem:$0x3FB2] =	sst s6  }
0xf: {  	[smem:$0x3FB3] =	sst s7  }
0x10: {  	[smem:$0x3FB4] =	sst s8  }
0x11: {  	[smem:$0x3FB5] =	sst s9;
	s0 =	simm.s32 @!p0 $0x0  }
0x12: {  	s1 =	sld [smem:$0x3F9B];
	s0 =	simm.s32 @p0 $0x1  }
0x13: {  	[smem:$0x3FB6] =	sst s0;
	s0 =	simm.s32 @!p1 $0x0  }
0x14: {  	s2 =	sld [smem:$0x3F9A];
	s0 =	simm.s32 @p1 $0x1  }
0x15: {  	[smem:$0x3FB7] =	sst s0;
	s0 =	simm.s32 @!p2 $0x0  }
0x16: {  	s3 =	sld [smem:$0x3FDB];
	s0 =	simm.s32 @p2 $0x1  }
0x17: {  	s4 =	simm.s32 $0x1BF5;
	[smem:$0x3FB9] =	sst s0  }
0x18: {  	s0 =	sld [smem:$0x3F9C];
	_ =	swait.ge [sflag:s4], $0x0  }
0x19: {  	s7 =	sld [smem:$0x3F9D]  }
0x1a: {  	s8 =	sadd.s32 $0xFFFFE003, lr  }
0x1b: {  	s9 =	sadd.s32 $0xFFFFFEF7, lr;
	s5 =	simm.s32 $0xFFFFFFFF;
	p2 =	slt.u32 s8, $0xFFFFF086  }
0x1c: {  	p1 =	slt.u32 s9, $0xF7A;
	s5 =	simm.s32 @!p2 $0x0  }
0x1d: {  	s5 =	simm.s32 @p1 $0x1;
	p0 =	seq.s32 s7, s2  }
0x1e: {  	s7 =	smul.u32 @!p0 $0xF7A, s2;
	p2 =	seq.s32 @!p0 s5, $0x0  }
0x1f: {  	s9 =	smul.u32 $0xF7A, s1;
	s8 =	simm.s32 @!p0 $0x1BF5;
	p2 =	por !p2, p0  }
0x20: {  	[sflag:s8] =	ssyncset.s32 @!p0 $0xFFFFF086;
	s6 =	sadd.s32 @!p0 s3, s7;
	s7 =	simm.s32 @!p0 $0x108  }
0x21: {  	s3 =	sadd.s32 s3, s9;
	s6 =	sadd.s32 @!p0 $0x88, s6;
	s7 =	simm.s32 @p2 $0x1082  }
0x22: {  	[simem:s7], [sflag:s8] =	dma.local @!p0 [hbm:s6], $0xF7A  }
0x23: {  	s9 =	sor.u32 $0xD0000000, s2;
	s6 =	simm.s32 $0x108;
	_ =	swait.ge @!p0 [sflag:s8], $0x0  }
0x24: {  	s3 =	sadd.s32 $0x88, s3;
	s6 =	simm.s32 @!p1 $0x1082;
	[sflag:s4] =	ssyncset.s32 $0xFFFFF086  }
0x25: {  	[simem:s6], [sflag:s4] =	dma.local [hbm:s3], $0xF7A  }
0x26: {  	[smem:$0x3F9D] =	sst s1;
	(tag) =	ssettag s2;
	_ =	strace s9  }
0x27: {  	s1 =	sld [smem:$0x3FAD]  }
0x28: {  	s2 =	sld [smem:$0x3FAE]  }
0x29: {  	s4 =	sld [smem:$0x3FB0]  }
0x2a: {  	p0 =	seq.s32 s5, $0x0;
	s5 =	sld [smem:$0x3FB1]  }
0x2b: {  	s6 =	sld [smem:$0x3FB2]  }
0x2c: {  	s7 =	sld [smem:$0x3FB3]  }
0x2d: {  	s3 =	simm.s32 $0x108;
	s8 =	sld [smem:$0x3FB4]  }
0x2e: {  	s3 =	simm.s32 @!p0 $0x1082;
	s9 =	sld [smem:$0x3FB5]  }
0x2f: {  	lr =	sadd.s32 s0, s3;
	s0 =	sld [smem:$0x3FAC]  }
0x30: {  	s3 =	sld [smem:$0x3FAF]  }
0x31: {  	[smem:$0x3FB8] =	sst s10  }
0x32: {  	s10 =	sld [smem:$0x3FB6];
	_ =	sdelay $0x3  }
0x33: {  	p0 =	seq.s32 s10, $0x1;
	s10 =	sld [smem:$0x3FB8];
	_ =	sdelay $0x3  }
0x34: {  	[smem:$0x3FB8] =	sst s10  }
0x35: {  	s10 =	sld [smem:$0x3FB7];
	_ =	sdelay $0x3  }
0x36: {  	p1 =	seq.s32 s10, $0x1;
	s10 =	sld [smem:$0x3FB8];
	_ =	sdelay $0x3  }
0x37: {  	[smem:$0x3FB8] =	sst s10  }
0x38: {  	s10 =	sld [smem:$0x3FB9]  }
0x39: {  	_ = 	snop;
	(pc) =	sbr.ind lr, $3  }
0x3a: {  	_ = 	snop  }
0x3b: {  	_ = 	snop  }
0x3c: {  	p2 =	seq.s32 s10, $0x1;
	s10 =	sld [smem:$0x3FB8]  }
0x3d: {  	_ =	shalt  }
0x3e: {  	_ =	shalt  }
0x3f: {  	_ =	shalt  }
0x40: {  	_ =	shalt  }
0x41: {  	_ =	shalt  }
0x42: {  	_ =	shalt  }
0x43: {  	_ =	shalt  }
0x44: {  	_ =	shalt  }
0x45: {  	_ =	shalt  }
0x46: {  	_ =	shalt  }
0x47: {  	_ =	shalt  }
0x48: {  	_ =	shalt  }
0x49: {  	_ =	shalt  }
0x4a: {  	_ =	shalt  }
0x4b: {  	_ =	shalt  }
0x4c: {  	_ =	shalt  }
0x4d: {  	_ =	shalt  }
0x4e: {  	_ =	shalt  }
0x4f: {  	_ =	shalt  }
0x50: {  	_ =	shalt  }
0x51: {  	_ =	shalt  }
0x52: {  	_ =	shalt  }
0x53: {  	_ =	shalt  }
0x54: {  	_ =	shalt  }
0x55: {  	_ =	shalt  }
0x56: {  	_ =	shalt  }
0x57: {  	_ =	shalt  }
0x58: {  	_ =	shalt  }
0x59: {  	_ =	shalt  }
0x5a: {  	_ =	shalt  }
0x5b: {  	_ =	shalt  }
0x5c: {  	_ =	shalt  }
0x5d: {  	_ =	shalt  }
0x5e: {  	_ =	shalt  }
0x5f: {  	_ =	shalt  }
0x60: {  	_ =	shalt  }
0x61: {  	_ =	shalt  }
0x62: {  	_ =	shalt  }
0x63: {  	_ =	shalt  }
0x64: {  	_ =	shalt  }
0x65: {  	_ =	shalt  }
0x66: {  	_ =	shalt  }
0x67: {  	_ =	shalt  }
0x68: {  	_ =	shalt  }
0x69: {  	_ =	shalt  }
0x6a: {  	_ =	shalt  }
0x6b: {  	_ =	shalt  }
0x6c: {  	_ =	shalt  }
0x6d: {  	_ =	shalt  }
0x6e: {  	_ =	shalt  }
0x6f: {  	_ =	shalt  }
0x70: {  	_ =	shalt  }
0x71: {  	_ =	shalt  }
0x72: {  	_ =	shalt  }
0x73: {  	_ =	shalt  }
0x74: {  	_ =	shalt  }
0x75: {  	_ =	shalt  }
0x76: {  	_ =	shalt  }
0x77: {  	_ =	shalt  }
0x78: {  	_ =	shalt  }
0x79: {  	_ =	shalt  }
0x7a: {  	_ =	shalt  }
0x7b: {  	_ =	shalt  }
0x7c: {  	_ =	shalt  }
0x7d: {  	_ =	shalt  }
0x7e: {  	_ =	shalt  }
0x7f: {  	_ =	shalt  }
0x80: {  	_ =	shalt  }
0x81: {  	_ =	shalt  }
0x82: {  	_ =	shalt  }
0x83: {  	_ =	shalt  }
0x84: {  	_ =	shalt  }
0x85: {  	_ =	shalt  }
0x86: {  	_ =	shalt  }
0x87: {  	_ =	shalt  }
.Lfunc_end0:
.L_simem_size_0:
called_computation_lowered:
.L_overlay_start_0:
0x88: {  	s2 =	sld [smem:$0x3FD9]  }
0x89: {  	s3 =	sld [smem:$0x3FFE];
	_ =	sdelay $0x1  }
0x8a: {  	s1 =	srdreg.scid  }
0x8b: {  	s0 =	sand.u32 $0x1, s1  }
0x8c: {  	s14 =	sshll.u32 s0, $0xA;
	s2 =	sadd.s32 s3, s2  }
0x8d: {  	s2 =	sadd.s32 s2, s14  }
0x8e: {  	[smem:$0x3FC4] =	sst s2  }
0x8f: {  	_ = 	snop  }
0x90: {  	s2 =	sld [smem:$0x3FD0];
	_ =	sdelay $0x2  }
0x91: {  	s4 =	simm.s32 $0xA;
	s5 =	simm.s32 $0x10;
	s15 =	sld [smem:$0x3FC9]  }
0x92: {  	[smem:s5], [sflag:s4] =	dma.local [hbm:s2], $0x1  }
0x93: {  	_ =	swait.eq [sflag:s4], $0x1  }
0x94: {  	[sflag:s4] =	ssyncset.done $0x0  }
0x95: {  	[sflag:s4] =	ssyncadd.s32 $0xFFFFFFFF  }
0x96: {  	s16 =	sld [smem:$0x10];
	(tm) =	ssettm $0x1  }
0x97: {  	s17 =	sld [smem:$0x3FFB];
	_ =	sdelay $0x3  }
0x98: {  	_ =	strace s17  }
0x99: {  	s4 =	sld [smem:$0x3FFC];
	_ =	sdelay $0x3  }
0x9a: {  	_ =	strace s4  }
0x9b: {  	s4 =	sld [smem:$0x3FFD];
	_ =	sdelay $0x3  }
0x9c: {  	_ =	strace s4  }
0x9d: {  	_ =	strace $0x8FFFFFFF  }
0x9e: {  	s18 =	sld [smem:$0x3FDB];
	_ =	sdelay $0x1  }
0x9f: {  	s19 =	simm.s32 $_scs_section_size  }
0xa0: {  	s6 =	simm.s32 $_size__tile_overlayer_lowered;
	s7 =	simm.s32 $_tile_overlayer_lowered  }
0xa1: {  	s22 =	simm.s32 $0x1BFF;
	s21 =	sshll.u32 s7, $0x1;
	s4 =	sadd.s32 s19, s18  }
0xa2: {  	s8 =	simm.s32 $0x0;
	s20 =	sshll.u32 s6, $0x1;
	s6 =	sadd.s32 s21, s4  }
0xa3: {  	[timem:s8], [sflag:s22] =	dma.local [hbm:s6], s20  }
0xa4: {  	_ =	swait.ge [sflag:s22], s20  }
0xa5: {  	s5 =	ssub.s32 $0x0, s20;
	[sflag:s22] =	ssyncset.done $0x0  }
0xa6: {  	[sflag:s22] =	ssyncadd.s32 s5;
	_ =	sdelay $0x1  }
0xa7: {  	s23 =	simm.s32 $0x1B8B  }
0xa8: {  	_ =	swait.ge [sflag:s23], $0x1  }
0xa9: {  	[sflag:s23] =	ssyncset.done $0x0  }
0xaa: {  	s25 =	simm.s32 $0x1B8E;
	s24 =	sld [smem:$0x3FFE];
	[sflag:s23] =	ssyncadd.s32 $0xFFFFFFFF  }
0xab: {  	s26 =	simm.s32 $execute0_lowered;
	[smem:$0x3FD2] =	sst s25  }
0xac: {  	s6 =	sshll.u32 s26, $0x1;
	_ =	strace $0x80000046;
	[dreg:$0x1] =	wrdreg $0xFFFFFFFF  }
0xad: {  	s28 =	simm.s32 $_size_execute0_lowered;
	s4 =	sadd.s32 s4, s6;
	[dreg:$0x0] =	wrdreg $0x0  }
0xae: {  	s6 =	sshll.u32 s28, $0x1;
	[dreg:$0x2] =	wrdreg s4  }
0xaf: {  	[dreg:$0x3] =	wrdreg s6  }
0xb0: {  	[dreg:$0x4] =	wrdreg $0xC0  }
0xb1: {  	_ =	task [dreg:s8], $0x5FFFF  }
0xb2: {  	[dreg:$0x1] =	wrdreg $0xFFFFFFFF  }
0xb3: {  	[dreg:$0x0] =	wrdreg $0x60  }
0xb4: {  	[dreg:$0x2] =	wrdreg s15  }
0xb5: {  	[dreg:$0x3] =	wrdreg s24  }
0xb6: {  	[dreg:$0x4] =	wrdreg s16  }
0xb7: {  	[dreg:$0x5] =	wrdreg $0x9  }
0xb8: {  	_ =	task.clear_ibuf [dreg:s8], $0x6FFFF;
	_ =	strace $0x90000046  }
0xb9: {  	s29 =	simm.s32 $0x9;
	_ =	strace $0x80000048  }
0xba: {  	_ =	swait.ge [sflag:s29], $0x1  }
0xbb: {  	[sflag:s29] =	ssyncadd.s32 $0xFFFFFFFF  }
0xbc: {  	_ =	strace $0x90000048  }
0xbd: {  	_ =	sfence  }
0xbe: {  	s30 =	sld [smem:$0x0];
	_ =	sdelay $0x2  }
0xbf: {  	s31 =	sshll.u32 s1, $0xD;
	s1 =	sshrl.u32 s1, $0x2  }
0xc0: {  	s3 =	sand.u32 $0x4000, s31;
	s1 =	sadd.s32 s1, s30  }
0xc1: {  	s0 =	sor.u32 s3, s0;
	s1 =	sshll.u32 s1, $0x11  }
0xc2: {  	s0 =	sor.u32 s1, s0  }
0xc3: {  	s0 =	sadd.s32 $0x8F2B, s0  }
0xc4: {  	[sflag:s0] =	ssyncadd.remote.s32 $0x1  }
0xc5: {  	_ =	sfence.sel $0xFFFF  }
0xc6: {  	[dreg:$0x0] =	wrdreg $0xFFFFFFFF;
	(pc) =	sbr.abs _section_cstart, $3  }
0xc7: {  	[dreg:$0x1] =	wrdreg $0xFFFFFFFF  }
0xc8: {  	_ =	task.clear_ibuf [dreg:s8], $0x2FFFF;
	_ =	strace $0x9FFFFFFF  }
0xc9: {  	(tm) =	ssettm $0x7FFFFFFF  }
tec
execute0_lowered:
.L_overlay_start_1:
0x0: {  	(tag) =	ssettag $0x1  }
0x1: {  	s1 =	rddreg [dreg:$0x0]  }
0x2: {  	s0 =	rddreg [dreg:$0x1]  }
0x3: {  	s3 =	rddreg [dreg:$0x2];
	s2 =	srdreg.scid  }
0x4: {  	s5 =	stileid.u32;
	s4 =	simm.s32 $0x0;
	s12 =	simm.s32 $0x1  }
0x5: {  	s13 =	simm.s32 $0x2;
	s14 =	simm.s32 $0xC000;
	s2 =	sand.u32 $0x1, s2  }
0x6: {  	s15 =	simm.s32 $0x3;
	s5 =	sshll.u32 s5, $0x8;
	s6 =	sshll.u32 s2, $0x7  }
0x7: {  	[smem:$0x7FF] =	sst s4;
	s2 =	ssub.s32 $0x2, s2;
	s5 =	sor.u32 s6, s5  }
0x8: {  	_ =	strace $0x80000047;
	s29 =	sshrl.u32 s2, $0x1;
	s7 =	sshll.u32 s5, $0x8  }
0x9: {  	s6 =	sshll.u32 s5, $0x4;
	s2 =	ssub.s32 s2, s29;
	s30 =	sadd.s32 s1, s7  }
0xa: {  	s0 =	sadd.s32 s6, s0;
	s31 =	smax.u32 s2, $0x1;
	[dreg:$0x5] =	wrdreg s30  }
0xb: {  	s16 =	simm.s32 $0x10000;
	s0 =	sadd.s32 $0x1000, s0;
	[dreg:$0x7] =	wrdreg s31  }
0xc: {  	s17 =	simm.s32 $0x4;
	[dreg:$0x4] =	wrdreg s0;
	s0 =	sadd.s32 $0x800, s30  }
0xd: {  	s18 =	simm.s32 $0x5;
	s19 =	simm.s32 $0x0;
	[dreg:$0x6] =	wrdreg s0  }
.LBB2_1:
0xe: {  	s0 =	rddreg [dreg:$0x4]  }
0xf: {  	[tilespmem:s4], [sflag:$0x1] =	stream.linear.gather [hbm4b:s0+s4], $0x4000, $0x38;
	[tilespmem:$0x14000] =	vst v63  }
0x10: {  	s29 =	rddreg [dreg:$0x5];
	s2 =	simm.s32 $0x4000  }
0x11: {  	[tilespmem:s2], [sflag:$0x2] =	stream.linear.gather [hbm4b:s29+s4], $0x4000, $0x38;
	[tilespmem:$0x14000] =	vst v63  }
0x12: {  	s30 =	rddreg [dreg:$0x6];
	s31 =	simm.s32 $0x8000  }
0x13: {  	[tilespmem:s31], [sflag:$0x3] =	stream.linear.gather [hbm4b:s30+s4], $0x4000, $0x38;
	[tilespmem:$0x14000] =	vst v63  }
0x14: {  	_ =	swait.ge [sflag:s12], $0x4000  }
0x15: {  	[sflag:s12] =	ssyncset.done $0x0  }
0x16: {  	s20 =	simm.s32 $0x0;
	[sflag:s12] =	ssyncadd.s32 $0xFFFFC000  }
.LBB2_2:
0x17: {  	_ =	swait.ge [sflag:s13], $0x4000  }
0x18: {  	p1 =	seq.s32 s20, $0x0;
	[sflag:s13] =	ssyncset.done $0x0  }
0x19: {  	s0 =	simm.s32 @!p1 $0x4;
	[sflag:s13] =	ssyncadd.s32 $0xFFFFC000  }
0x1a: {  	s2 =	sshll.u32 s20, $0x4;
	_ =	swait.ge @!p1 [sflag:s0], $0x4000  }
0x1b: {  	s23 =	sand.u32 $0x70, s2;
	[sflag:s0] =	ssyncset.done @!p1 $0x0  }
0x1c: {  	s9 =	sshll.u32 s23, $0x7;
	[sflag:s0] =	ssyncadd.s32 @!p1 $0xFFFFC000  }
0x1d: {  	v6 =	vld [tilespmem:s9+$0x0]  }
0x1e: {  	v7 =	vld [tilespmem:s9+$0x80]  }
0x1f: {  	v5 =	vld [tilespmem:s9+$0x100]  }
0x20: {  	s10 =	simm.s32 $0x0;
	v4 =	vld [tilespmem:s9+$0x180]  }
0x21: {  	s6 =	sand.u32 $0x60, s10;
	s8 =	sand.u32 $0x3C00, s10;
	v2 =	vld [tilespmem:s9+$0x200]  }
0x22: {  	s6 =	sor.u32 s6, s8;
	v3 =	vld [tilespmem:s9+$0x280]  }
0x23: {  	v0 =	vld [tilespmem:s6+$0x4010]  }
0x24: {  	v8 =	vld [tilespmem:s6+$0x4090]  }
0x25: {  	v9 =	vld [tilespmem:s6+$0x4110]  }
0x26: {  	v10 =	vld [tilespmem:s6+$0x4190]  }
0x27: {  	v11 =	vld [tilespmem:s6+$0x4210]  }
0x28: {  	v13 =	vld [tilespmem:s6+$0x4290];
	v12 =	vmul.f32 v0, v6  }
0x29: {  	v1 =	vld [tilespmem:s9+$0x300];
	v8 =	vmul.f32 v8, v7  }
0x2a: {  	v0 =	vld [tilespmem:s9+$0x380];
	v9 =	vmul.f32 v9, v5;
	[tilespmem:s6+$0xC010] =	vst v12  }
0x2b: {  	s11 =	sand.u32 $0x3, s10;
	v12 =	vld [tilespmem:s6+$0x4000];
	[tilespmem:s6+$0xC090] =	vst v8;
	v8 =	vmul.f32 v10, v4  }
0x2c: {  	s0 =	sshll.u32 s11, $0x5;
	v10 =	vld [tilespmem:s6+$0x4080];
	[tilespmem:s6+$0xC110] =	vst v9;
	v9 =	vmul.f32 v11, v2  }
0x2d: {  	s26 =	sadd.s32 $0x0, s0;
	v11 =	vld [tilespmem:s6+$0x4100];
	[tilespmem:s6+$0xC190] =	vst v8;
	v8 =	vmul.f32 v13, v3  }
0x2e: {  	s21 =	sadd.s32 $0x10, s26;
	v13 =	vld [tilespmem:s6+$0x4180];
	[tilespmem:s6+$0xC210] =	vst v9  }
0x2f: {  	s24 =	simm.s32 $0x100;
	s10 =	simm.s32 $0x20;
	s22 =	sor.u32 $0x300, s21;
	v9 =	vld [tilespmem:s6+$0x4200];
	[tilespmem:s6+$0xC290] =	vst v8  }
0x30: {  	s10 =	sand.u32 $0x60, s10;
	s0 =	sand.u32 $0x3C00, s24;
	v8 =	vmul.f32 v12, v6;
	v12 =	vld [tilespmem:s22+$0x4000]  }
0x31: {  	v14 =	vld [tilespmem:s6+$0x4280];
	s0 =	sor.u32 s10, s0;
	v10 =	vmul.f32 v10, v7  }
0x32: {  	[tilespmem:s6+$0xC000] =	vst v8;
	v8 =	vmul.f32 v11, v5;
	v11 =	vld [tilespmem:s0+$0x4010]  }
0x33: {  	[tilespmem:s6+$0xC080] =	vst v10;
	v10 =	vmul.f32 v13, v4;
	v13 =	vld [tilespmem:s0+$0x4090]  }
0x34: {  	[tilespmem:s6+$0xC100] =	vst v8;
	v8 =	vmul.f32 v9, v2;
	v9 =	vld [tilespmem:s0+$0x4110]  }
0x35: {  	[tilespmem:s6+$0xC180] =	vst v10;
	v10 =	vld [tilespmem:s0+$0x4190];
	v12 =	vmul.f32 v12, v1  }
0x36: {  	v14 =	vmul.f32 v14, v3;
	[tilespmem:s6+$0xC200] =	vst v8;
	v8 =	vld [tilespmem:s0+$0x4210]  }
0x37: {  	v15 =	vld [tilespmem:s0+$0x4290];
	s25 =	sor.u32 $0x380, s21;
	v11 =	vmul.f32 v11, v6;
	[tilespmem:s22+$0xC000] =	vst v12  }
0x38: {  	[tilespmem:s6+$0xC280] =	vst v14;
	v12 =	vmul.f32 v13, v7;
	v13 =	vld [tilespmem:s25+$0x4000]  }
0x39: {  	v14 =	vld [tilespmem:s0+$0x4000];
	[tilespmem:s0+$0xC010] =	vst v11;
	v9 =	vmul.f32 v9, v5  }
0x3a: {  	s7 =	simm.s32 $0x1;
	v11 =	vld [tilespmem:s0+$0x4080];
	[tilespmem:s0+$0xC090] =	vst v12;
	v10 =	vmul.f32 v10, v4  }
0x3b: {  	s2 =	sand.u32 $0x3, s7;
	v12 =	vld [tilespmem:s0+$0x4100];
	[tilespmem:s0+$0xC110] =	vst v9;
	v8 =	vmul.f32 v8, v2  }
0x3c: {  	s2 =	sshll.u32 s2, $0x5;
	v9 =	vld [tilespmem:s0+$0x4180];
	[tilespmem:s0+$0xC190] =	vst v10;
	v10 =	vmul.f32 v15, v3  }
0x3d: {  	s2 =	sadd.s32 $0x100, s2;
	v15 =	vld [tilespmem:s0+$0x4200];
	[tilespmem:s0+$0xC210] =	vst v8;
	v8 =	vmul.f32 v13, v0  }
0x3e: {  	s9 =	sadd.s32 $0x10, s2;
	v13 =	vmul.f32 v14, v6;
	[tilespmem:s0+$0xC290] =	vst v10  }
0x3f: {  	s11 =	simm.s32 $0x200;
	s21 =	simm.s32 $0x40;
	s24 =	sor.u32 $0x300, s9;
	v14 =	vld [tilespmem:s0+$0x4280];
	v10 =	vmul.f32 v11, v7;
	[tilespmem:s25+$0xC000] =	vst v8  }
0x40: {  	s11 =	sand.u32 $0x3C00, s11;
	s22 =	sor.u32 $0x300, s26;
	v12 =	vmul.f32 v12, v5;
	s25 =	sand.u32 $0x60, s21;
	v8 =	vld [tilespmem:s24+$0x4000];
	[tilespmem:s0+$0xC000] =	vst v13  }
0x41: {  	v11 =	vld [tilespmem:s22+$0x4000];
	s25 =	sor.u32 s25, s11;
	[tilespmem:s0+$0xC080] =	vst v10;
	v9 =	vmul.f32 v9, v4  }
0x42: {  	[tilespmem:s0+$0xC100] =	vst v12;
	v12 =	vmul.f32 v15, v2;
	v10 =	vld [tilespmem:s25+$0x4010]  }
0x43: {  	v13 =	vld [tilespmem:s25+$0x4090];
	[tilespmem:s0+$0xC180] =	vst v9  }
0x44: {  	v9 =	vmul.f32 v14, v3;
	[tilespmem:s0+$0xC200] =	vst v12;
	v12 =	vld [tilespmem:s25+$0x4190]  }
0x45: {  	v14 =	vld [tilespmem:s25+$0x4110];
	v8 =	vmul.f32 v8, v1  }
0x46: {  	v11 =	vmul.f32 v11, v1;
	[tilespmem:s0+$0xC280] =	vst v9;
	v9 =	vld [tilespmem:s25+$0x4210]  }
0x47: {  	s30 =	simm.s32 $0x2;
	s9 =	sor.u32 $0x380, s9;
	v15 =	vld [tilespmem:s25+$0x4290];
	v10 =	vmul.f32 v10, v6;
	[tilespmem:s24+$0xC000] =	vst v8  }
0x48: {  	s7 =	sand.u32 $0x3, s30;
	[tilespmem:s22+$0xC000] =	vst v11;
	v8 =	vmul.f32 v13, v7;
	v11 =	vld [tilespmem:s9+$0x4000]  }
0x49: {  	s8 =	sshll.u32 s7, $0x5;
	v13 =	vld [tilespmem:s25+$0x4000];
	v12 =	vmul.f32 v12, v4;
	[tilespmem:s25+$0xC010] =	vst v10  }
0x4a: {  	s10 =	sadd.s32 $0x200, s8;
	v10 =	vmul.f32 v14, v5;
	v14 =	vld [tilespmem:s25+$0x4080];
	[tilespmem:s25+$0xC090] =	vst v8  }
0x4b: {  	s29 =	sor.u32 $0x300, s2;
	s28 =	sor.u32 $0x380, s2;
	s31 =	sor.u32 $0x380, s10;
	v8 =	vld [tilespmem:s25+$0x4100];
	v16 =	vmul.f32 v9, v2;
	[tilespmem:s25+$0xC190] =	vst v12  }
0x4c: {  	s2 =	simm.s32 $0x300;
	s6 =	sshll.u32 s20, $0x9;
	s26 =	sor.u32 $0x380, s26;
	v9 =	vld [tilespmem:s25+$0x4180];
	v12 =	vmul.f32 v15, v3;
	[tilespmem:s25+$0xC110] =	vst v10  }
0x4d: {  	s21 =	sshll.u32 s20, $0x1;
	s11 =	sor.u32 $0x300, s10;
	s0 =	sand.u32 $0x1000, s6;
	v10 =	vld [tilespmem:s25+$0x4200];
	[tilespmem:s25+$0xC210] =	vst v16;
	v15 =	vmul.f32 v11, v0  }
0x4e: {  	s6 =	sadd.s32 $0x10, s10;
	s10 =	simm.s32 $0x60;
	s22 =	sor.u32 s5, s0;
	[tilespmem:s25+$0xC290] =	vst v12;
	v13 =	vmul.f32 v13, v6;
	v11 =	vld [tilespmem:s25+$0x4280]  }
0x4f: {  	s0 =	simm.s32 $0x4;
	s8 =	sor.u32 $0x300, s6;
	s24 =	sor.u32 s23, s22;
	v12 =	vld [tilespmem:s29+$0x4000];
	v14 =	vmul.f32 v14, v7;
	[tilespmem:s9+$0xC000] =	vst v15  }
.LBB2_3:
0x50: {  	s9 =	sand.u32 $0x60, s10;
	s7 =	sand.u32 $0x3C00, s2;
	[tilespmem:s25+$0xC000] =	vst v13;
	v8 =	vmul.f32 v8, v5;
	v13 =	vld [tilespmem:s8+$0x4000]  }
0x51: {  	s7 =	sor.u32 s9, s7;
	[tilespmem:s25+$0xC080] =	vst v14;
	v9 =	vmul.f32 v9, v4;
	v14 =	vld [tilespmem:s26+$0x4000]  }
0x52: {  	v15 =	vld [tilespmem:s7+$0x4010];
	[tilespmem:s25+$0xC100] =	vst v8;
	v8 =	vmul.f32 v10, v2  }
0x53: {  	v10 =	vld [tilespmem:s7+$0x4090];
	[tilespmem:s25+$0xC180] =	vst v9;
	v9 =	vmul.f32 v11, v3  }
0x54: {  	v11 =	vld [tilespmem:s7+$0x4110];
	[tilespmem:s25+$0xC200] =	vst v8;
	v8 =	vmul.f32 v12, v1  }
0x55: {  	v12 =	vld [tilespmem:s7+$0x4190];
	[tilespmem:s25+$0xC280] =	vst v9;
	v9 =	vmul.f32 v13, v1;
	s25 =	smov.u32 s7  }
0x56: {  	s0 =	sadd.s32 $0x2, s0;
	v13 =	vld [tilespmem:s25+$0x4210];
	[tilespmem:s29+$0xC000] =	vst v8;
	v8 =	vmul.f32 v14, v0;
	s29 =	smov.u32 s11  }
0x57: {  	p0 =	slt.u32 s0, $0x7E;
	s7 =	sor.u32 $0x380, s6;
	v14 =	vmul.f32 v15, v6;
	v15 =	vld [tilespmem:s25+$0x4290];
	[tilespmem:s8+$0xC000] =	vst v9  }
0x58: {  	v9 =	vmul.f32 v10, v7;
	v16 =	vld [tilespmem:s7+$0x4000];
	[tilespmem:s26+$0xC000] =	vst v8;
	s26 =	smov.u32 s28;
	s28 =	smov.u32 s31  }
0x59: {  	v17 =	vld [tilespmem:s25+$0x4000];
	[tilespmem:s25+$0xC010] =	vst v14;
	v10 =	vmul.f32 v11, v5  }
0x5a: {  	s30 =	sadd.s32 $0x1, s30;
	v14 =	vld [tilespmem:s25+$0x4080];
	[tilespmem:s25+$0xC090] =	vst v9;
	v11 =	vmul.f32 v12, v4  }
.Ltmp0:
0x5b: {  	s6 =	sand.u32 $0x3, s30;
	v8 =	vld [tilespmem:s25+$0x4100];
	[tilespmem:s25+$0xC110] =	vst v10;
	v12 =	vmul.f32 v13, v2;
	(pc) =	sbr.rel @p0 .LBB2_3-.Ltmp0, $4  }
0x5c: {  	s6 =	sshll.u32 s6, $0x5;
	v9 =	vld [tilespmem:s25+$0x4180];
	[tilespmem:s25+$0xC190] =	vst v11;
	v15 =	vmul.f32 v15, v3  }
0x5d: {  	s6 =	sadd.s32 s6, s2;
	v10 =	vld [tilespmem:s25+$0x4200];
	[tilespmem:s25+$0xC210] =	vst v12;
	v16 =	vmul.f32 v16, v0  }
0x5e: {  	s11 =	sor.u32 $0x300, s6;
	s31 =	sor.u32 $0x380, s6;
	s6 =	sadd.s32 $0x10, s6;
	v13 =	vmul.f32 v17, v6;
	v11 =	vld [tilespmem:s25+$0x4280];
	[tilespmem:s25+$0xC290] =	vst v15  }
0x5f: {  	s10 =	sadd.s32 $0x20, s10;
	s2 =	sadd.s32 $0x100, s2;
	s8 =	sor.u32 $0x300, s6;
	v14 =	vmul.f32 v14, v7;
	v12 =	vld [tilespmem:s29+$0x4000];
	[tilespmem:s7+$0xC000] =	vst v16  }
0x60: {  	[tilespmem:s25+$0xC000] =	vst v13;
	v5 =	vmul.f32 v8, v5  }
0x61: {  	[tilespmem:s25+$0xC080] =	vst v14;
	v4 =	vmul.f32 v9, v4  }
0x62: {  	[tilespmem:s25+$0xC100] =	vst v5;
	v2 =	vmul.f32 v10, v2  }
0x63: {  	[tilespmem:s25+$0xC180] =	vst v4;
	v3 =	vmul.f32 v11, v3  }
0x64: {  	v4 =	vld [tilespmem:s8+$0x4000];
	[tilespmem:s25+$0xC200] =	vst v2  }
0x65: {  	[tilespmem:s25+$0xC280] =	vst v3  }
0x66: {  	v2 =	vld [tilespmem:s11+$0x4000];
	_ =	sdelay $0x2  }
0x67: {  	v3 =	vmul.f32 v4, v1  }
0x68: {  	v4 =	vmul.f32 v12, v1  }
0x69: {  	s0 =	sor.u32 $0x380, s6;
	v5 =	vld [tilespmem:s26+$0x4000];
	[tilespmem:s8+$0xC000] =	vst v3;
	v1 =	vmul.f32 v2, v1  }
0x6a: {  	[tilespmem:s29+$0xC000] =	vst v4;
	v2 =	vld [tilespmem:s0+$0x4000]  }
0x6b: {  	v3 =	vld [tilespmem:s28+$0x4000];
	[tilespmem:s11+$0xC000] =	vst v1  }
0x6c: {  	p0 =	seq.s32 s20, $0xF;
	v1 =	vld [tilespmem:s31+$0x4000]  }
0x6d: {  	s2 =	sadd.s32 @!p0 $0x2, s21  }
0x6e: {  	s6 =	sshll.u32 @!p0 s2, $0x3;
	s2 =	sshll.u32 @!p0 s2, $0x8;
	v4 =	vmul.f32 v5, v0  }
0x6f: {  	s6 =	sand.u32 @!p0 $0x70, s6;
	s2 =	sand.u32 @!p0 $0x3000, s2;
	v2 =	vmul.f32 v2, v0  }
0x70: {  	s2 =	sor.u32 @!p0 s6, s2;
	[tilespmem:s26+$0xC000] =	vst v4;
	v3 =	vmul.f32 v3, v0  }
0x71: {  	[tilespmem:s0+$0xC000] =	vst v2;
	s0 =	sor.u32 @!p0 s5, s2;
	v0 =	vmul.f32 v1, v0  }
0x72: {  	s9 =	sshll.u32 s24, $0x8;
	[tilespmem:s28+$0xC000] =	vst v3;
	s0 =	sshll.u32 @!p0 s0, $0x8  }
0x73: {  	s6 =	simm.s32 @!p0 $0x4000;
	s2 =	simm.s32 @!p0 $0x0;
	s0 =	sadd.s32 @!p0 s1, s0;
	[tilespmem:s31+$0xC000] =	vst v0  }
0x74: {  	[tilespmem:s6], [sflag:$0x2] =	stream.linear.gather @!p0 [hbm4b:s0+s2], $0x4000, $0x38;
	[tilespmem:$0x14000] =	vst v63  }
0x75: {  	s0 =	sadd.s32 s3, s9  }
0x76: {  	[hbm4b:s0+s4] =	stream.linear.scatter [tilespmem:s14], [sflag:$0x4], $0x4000, $0x38;
	[tilespmem:$0x14000] =	vst v63  }
0x77: {  	_ =	swait.ge [sflag:s15], $0x4000  }
0x78: {  	[sflag:s15] =	ssyncset.done $0x0  }
0x79: {  	s0 =	simm.s32 @!p1 $0x5;
	[sflag:s15] =	ssyncadd.s32 $0xFFFFC000  }
0x7a: {  	_ =	swait.ge @!p1 [sflag:s0], $0x4000  }
0x7b: {  	s24 =	sor.u32 $0x8, s23;
	[sflag:s0] =	ssyncset.done @!p1 $0x0  }
0x7c: {  	s10 =	sshll.u32 s24, $0x7;
	[sflag:s0] =	ssyncadd.s32 @!p1 $0xFFFFC000  }
0x7d: {  	v6 =	vld [tilespmem:s10+$0x0]  }
0x7e: {  	v7 =	vld [tilespmem:s10+$0x80]  }
0x7f: {  	v5 =	vld [tilespmem:s10+$0x100]  }
0x80: {  	s11 =	simm.s32 $0x0;
	v4 =	vld [tilespmem:s10+$0x180]  }
0x81: {  	s23 =	sand.u32 $0x60, s11;
	s7 =	sand.u32 $0x3C00, s11;
	v2 =	vld [tilespmem:s10+$0x200]  }
0x82: {  	s6 =	sor.u32 s23, s7;
	v3 =	vld [tilespmem:s10+$0x280]  }
0x83: {  	v0 =	vld [tilespmem:s6+$0x8010]  }
0x84: {  	v8 =	vld [tilespmem:s6+$0x8090]  }
0x85: {  	v9 =	vld [tilespmem:s6+$0x8110]  }
0x86: {  	v10 =	vld [tilespmem:s6+$0x8190]  }
0x87: {  	v11 =	vld [tilespmem:s6+$0x8210]  }
0x88: {  	v13 =	vld [tilespmem:s6+$0x8290];
	v12 =	vmul.f32 v0, v6  }
0x89: {  	v1 =	vld [tilespmem:s10+$0x300];
	v8 =	vmul.f32 v8, v7  }
0x8a: {  	v0 =	vld [tilespmem:s10+$0x380];
	v9 =	vmul.f32 v9, v5;
	[tilespmem:s6+$0x10010] =	vst v12  }
0x8b: {  	s25 =	sand.u32 $0x3, s11;
	v12 =	vld [tilespmem:s6+$0x8000];
	[tilespmem:s6+$0x10090] =	vst v8;
	v8 =	vmul.f32 v10, v4  }
0x8c: {  	s0 =	sshll.u32 s25, $0x5;
	v10 =	vld [tilespmem:s6+$0x8080];
	[tilespmem:s6+$0x10110] =	vst v9;
	v9 =	vmul.f32 v11, v2  }
0x8d: {  	s25 =	sadd.s32 $0x0, s0;
	v11 =	vld [tilespmem:s6+$0x8100];
	[tilespmem:s6+$0x10190] =	vst v8;
	v8 =	vmul.f32 v13, v3  }
0x8e: {  	s26 =	sadd.s32 $0x10, s25;
	v13 =	vld [tilespmem:s6+$0x8180];
	[tilespmem:s6+$0x10210] =	vst v9  }
0x8f: {  	s31 =	simm.s32 $0x100;
	s9 =	simm.s32 $0x20;
	s30 =	sor.u32 $0x300, s26;
	v9 =	vld [tilespmem:s6+$0x8200];
	[tilespmem:s6+$0x10290] =	vst v8  }
0x90: {  	s8 =	sand.u32 $0x60, s9;
	s0 =	sand.u32 $0x3C00, s31;
	v8 =	vmul.f32 v12, v6;
	v12 =	vld [tilespmem:s30+$0x8000]  }
0x91: {  	v14 =	vld [tilespmem:s6+$0x8280];
	s0 =	sor.u32 s8, s0;
	v10 =	vmul.f32 v10, v7  }
0x92: {  	[tilespmem:s6+$0x10000] =	vst v8;
	v8 =	vmul.f32 v11, v5;
	v11 =	vld [tilespmem:s0+$0x8010]  }
0x93: {  	[tilespmem:s6+$0x10080] =	vst v10;
	v10 =	vmul.f32 v13, v4;
	v13 =	vld [tilespmem:s0+$0x8090]  }
0x94: {  	[tilespmem:s6+$0x10100] =	vst v8;
	v8 =	vmul.f32 v9, v2;
	v9 =	vld [tilespmem:s0+$0x8110]  }
0x95: {  	[tilespmem:s6+$0x10180] =	vst v10;
	v10 =	vld [tilespmem:s0+$0x8190];
	v12 =	vmul.f32 v12, v1  }
0x96: {  	v14 =	vmul.f32 v14, v3;
	[tilespmem:s6+$0x10200] =	vst v8;
	v8 =	vld [tilespmem:s0+$0x8210]  }
0x97: {  	v15 =	vld [tilespmem:s0+$0x8290];
	s2 =	sor.u32 $0x380, s26;
	v11 =	vmul.f32 v11, v6;
	[tilespmem:s30+$0x10000] =	vst v12  }
0x98: {  	[tilespmem:s6+$0x10280] =	vst v14;
	v12 =	vmul.f32 v13, v7;
	v13 =	vld [tilespmem:s2+$0x8000]  }
0x99: {  	s10 =	simm.s32 $0x1;
	v14 =	vld [tilespmem:s0+$0x8000];
	[tilespmem:s0+$0x10010] =	vst v11;
	v9 =	vmul.f32 v9, v5  }
0x9a: {  	s6 =	sand.u32 $0x3, s10;
	v11 =	vld [tilespmem:s0+$0x8080];
	[tilespmem:s0+$0x10090] =	vst v12;
	v10 =	vmul.f32 v10, v4  }
0x9b: {  	s6 =	sshll.u32 s6, $0x5;
	v12 =	vld [tilespmem:s0+$0x8100];
	[tilespmem:s0+$0x10110] =	vst v9;
	v8 =	vmul.f32 v8, v2  }
0x9c: {  	s6 =	sadd.s32 $0x100, s6;
	v9 =	vld [tilespmem:s0+$0x8180];
	[tilespmem:s0+$0x10190] =	vst v10;
	v10 =	vmul.f32 v15, v3  }
0x9d: {  	s11 =	sadd.s32 $0x10, s6;
	v15 =	vld [tilespmem:s0+$0x8200];
	[tilespmem:s0+$0x10210] =	vst v8;
	v8 =	vmul.f32 v13, v0  }
0x9e: {  	s9 =	simm.s32 $0x200;
	s10 =	simm.s32 $0x40;
	s30 =	sor.u32 $0x300, s11;
	v13 =	vmul.f32 v14, v6;
	v14 =	vld [tilespmem:s0+$0x8280];
	[tilespmem:s0+$0x10290] =	vst v10  }
0x9f: {  	s9 =	sand.u32 $0x3C00, s9;
	s31 =	sor.u32 $0x300, s25;
	s26 =	sand.u32 $0x60, s10;
	v10 =	vmul.f32 v11, v7;
	[tilespmem:s2+$0x10000] =	vst v8;
	v8 =	vld [tilespmem:s30+$0x8000]  }
0xa0: {  	s23 =	sor.u32 s26, s9;
	v11 =	vld [tilespmem:s31+$0x8000];
	v12 =	vmul.f32 v12, v5;
	[tilespmem:s0+$0x10000] =	vst v13  }
0xa1: {  	[tilespmem:s0+$0x10080] =	vst v10;
	v9 =	vmul.f32 v9, v4;
	v10 =	vld [tilespmem:s23+$0x8010]  }
0xa2: {  	v13 =	vld [tilespmem:s23+$0x8090];
	[tilespmem:s0+$0x10100] =	vst v12;
	v12 =	vmul.f32 v15, v2  }
0xa3: {  	[tilespmem:s0+$0x10180] =	vst v9;
	v9 =	vmul.f32 v14, v3;
	v14 =	vld [tilespmem:s23+$0x8110]  }
0xa4: {  	[tilespmem:s0+$0x10200] =	vst v12;
	v12 =	vld [tilespmem:s23+$0x8190];
	v8 =	vmul.f32 v8, v1  }
0xa5: {  	v11 =	vmul.f32 v11, v1;
	[tilespmem:s0+$0x10280] =	vst v9;
	v9 =	vld [tilespmem:s23+$0x8210]  }
0xa6: {  	s7 =	sor.u32 $0x380, s11;
	v15 =	vld [tilespmem:s23+$0x8290];
	v10 =	vmul.f32 v10, v6;
	[tilespmem:s30+$0x10000] =	vst v8  }
0xa7: {  	[tilespmem:s31+$0x10000] =	vst v11;
	v8 =	vmul.f32 v13, v7;
	v11 =	vld [tilespmem:s7+$0x8000]  }
0xa8: {  	v13 =	vld [tilespmem:s23+$0x8000];
	[tilespmem:s23+$0x10010] =	vst v10;
	v10 =	vmul.f32 v14, v5  }
0xa9: {  	s28 =	simm.s32 $0x2;
	v14 =	vld [tilespmem:s23+$0x8080];
	v12 =	vmul.f32 v12, v4;
	[tilespmem:s23+$0x10090] =	vst v8  }
0xaa: {  	s22 =	sor.u32 s24, s22;
	s30 =	sand.u32 $0x3, s28;
	v8 =	vld [tilespmem:s23+$0x8100];
	[tilespmem:s23+$0x10110] =	vst v10;
	v16 =	vmul.f32 v9, v2  }
0xab: {  	s24 =	sor.u32 $0x380, s25;
	s10 =	simm.s32 $0x60;
	s31 =	sshll.u32 s30, $0x5;
	v9 =	vld [tilespmem:s23+$0x8180];
	[tilespmem:s23+$0x10190] =	vst v12;
	v12 =	vmul.f32 v15, v3  }
0xac: {  	s26 =	sor.u32 $0x300, s6;
	s25 =	sor.u32 $0x380, s6;
	s2 =	sadd.s32 $0x200, s31;
	v10 =	vld [tilespmem:s23+$0x8200];
	[tilespmem:s23+$0x10210] =	vst v16;
	v15 =	vmul.f32 v11, v0  }
0xad: {  	s0 =	simm.s32 $0x4;
	s11 =	sor.u32 $0x300, s2;
	s6 =	sadd.s32 $0x10, s2;
	[tilespmem:s23+$0x10290] =	vst v12;
	v13 =	vmul.f32 v13, v6;
	v11 =	vld [tilespmem:s23+$0x8280]  }
0xae: {  	s29 =	sor.u32 $0x380, s2;
	s2 =	simm.s32 $0x300;
	s8 =	sor.u32 $0x300, s6;
	v12 =	vld [tilespmem:s26+$0x8000];
	v14 =	vmul.f32 v14, v7;
	[tilespmem:s7+$0x10000] =	vst v15  }
.LBB2_5:
0xaf: {  	s7 =	sand.u32 $0x60, s10;
	s9 =	sand.u32 $0x3C00, s2;
	[tilespmem:s23+$0x10000] =	vst v13;
	v8 =	vmul.f32 v8, v5;
	v13 =	vld [tilespmem:s8+$0x8000]  }
0xb0: {  	s7 =	sor.u32 s7, s9;
	[tilespmem:s23+$0x10080] =	vst v14;
	v9 =	vmul.f32 v9, v4;
	v14 =	vld [tilespmem:s24+$0x8000]  }
0xb1: {  	v15 =	vld [tilespmem:s7+$0x8010];
	[tilespmem:s23+$0x10100] =	vst v8;
	v8 =	vmul.f32 v10, v2  }
0xb2: {  	v10 =	vld [tilespmem:s7+$0x8090];
	[tilespmem:s23+$0x10180] =	vst v9;
	v9 =	vmul.f32 v11, v3  }
0xb3: {  	v11 =	vld [tilespmem:s7+$0x8110];
	[tilespmem:s23+$0x10200] =	vst v8;
	v8 =	vmul.f32 v12, v1  }
0xb4: {  	v12 =	vld [tilespmem:s7+$0x8190];
	[tilespmem:s23+$0x10280] =	vst v9;
	v9 =	vmul.f32 v13, v1;
	s23 =	smov.u32 s7  }
0xb5: {  	s0 =	sadd.s32 $0x2, s0;
	v13 =	vld [tilespmem:s23+$0x8210];
	[tilespmem:s26+$0x10000] =	vst v8;
	v8 =	vmul.f32 v14, v0;
	s26 =	smov.u32 s11  }
0xb6: {  	p1 =	slt.u32 s0, $0x7E;
	s7 =	sor.u32 $0x380, s6;
	v14 =	vmul.f32 v15, v6;
	v15 =	vld [tilespmem:s23+$0x8290];
	[tilespmem:s8+$0x10000] =	vst v9  }
0xb7: {  	v9 =	vmul.f32 v10, v7;
	v16 =	vld [tilespmem:s7+$0x8000];
	[tilespmem:s24+$0x10000] =	vst v8;
	s24 =	smov.u32 s25;
	s25 =	smov.u32 s29  }
0xb8: {  	v17 =	vld [tilespmem:s23+$0x8000];
	[tilespmem:s23+$0x10010] =	vst v14;
	v10 =	vmul.f32 v11, v5  }
0xb9: {  	s28 =	sadd.s32 $0x1, s28;
	v14 =	vld [tilespmem:s23+$0x8080];
	[tilespmem:s23+$0x10090] =	vst v9;
	v11 =	vmul.f32 v12, v4  }
.Ltmp1:
0xba: {  	s6 =	sand.u32 $0x3, s28;
	v8 =	vld [tilespmem:s23+$0x8100];
	[tilespmem:s23+$0x10110] =	vst v10;
	v12 =	vmul.f32 v13, v2;
	(pc) =	sbr.rel @p1 .LBB2_5-.Ltmp1, $4  }
0xbb: {  	s6 =	sshll.u32 s6, $0x5;
	v9 =	vld [tilespmem:s23+$0x8180];
	[tilespmem:s23+$0x10190] =	vst v11;
	v15 =	vmul.f32 v15, v3  }
0xbc: {  	s6 =	sadd.s32 s6, s2;
	v10 =	vld [tilespmem:s23+$0x8200];
	[tilespmem:s23+$0x10210] =	vst v12;
	v16 =	vmul.f32 v16, v0  }
0xbd: {  	s11 =	sor.u32 $0x300, s6;
	s29 =	sor.u32 $0x380, s6;
	s6 =	sadd.s32 $0x10, s6;
	v13 =	vmul.f32 v17, v6;
	v11 =	vld [tilespmem:s23+$0x8280];
	[tilespmem:s23+$0x10290] =	vst v15  }
0xbe: {  	s10 =	sadd.s32 $0x20, s10;
	s2 =	sadd.s32 $0x100, s2;
	s8 =	sor.u32 $0x300, s6;
	v14 =	vmul.f32 v14, v7;
	v12 =	vld [tilespmem:s26+$0x8000];
	[tilespmem:s7+$0x10000] =	vst v16  }
0xbf: {  	[tilespmem:s23+$0x10000] =	vst v13;
	v5 =	vmul.f32 v8, v5  }
0xc0: {  	[tilespmem:s23+$0x10080] =	vst v14;
	v4 =	vmul.f32 v9, v4  }
0xc1: {  	[tilespmem:s23+$0x10100] =	vst v5;
	v2 =	vmul.f32 v10, v2  }
0xc2: {  	[tilespmem:s23+$0x10180] =	vst v4;
	v3 =	vmul.f32 v11, v3  }
0xc3: {  	v55 =	vld [tilespmem:s8+$0x8000];
	[tilespmem:s23+$0x10200] =	vst v2  }
0xc4: {  	[tilespmem:s23+$0x10280] =	vst v3  }
0xc5: {  	v2 =	vld [tilespmem:s11+$0x8000];
	_ =	sdelay $0x2  }
0xc6: {  	v56 =	vmul.f32 v55, v1  }
0xc7: {  	v57 =	vmul.f32 v12, v1  }
0xc8: {  	v58 =	vld [tilespmem:s24+$0x8000];
	s0 =	sor.u32 $0x380, s6;
	[tilespmem:s8+$0x10000] =	vst v56;
	v59 =	vmul.f32 v2, v1  }
0xc9: {  	[tilespmem:s26+$0x10000] =	vst v57;
	v60 =	vld [tilespmem:s0+$0x8000]  }
0xca: {  	v61 =	vld [tilespmem:s25+$0x8000];
	[tilespmem:s11+$0x10000] =	vst v59  }
0xcb: {  	v1 =	vld [tilespmem:s29+$0x8000]  }
0xcc: {  	s2 =	sadd.s32 @!p0 $0x3, s21  }
0xcd: {  	s6 =	sshll.u32 @!p0 s2, $0x3;
	s2 =	sshll.u32 @!p0 s2, $0x8;
	v62 =	vmul.f32 v58, v0  }
0xce: {  	s6 =	sand.u32 @!p0 $0x78, s6;
	s2 =	sand.u32 @!p0 $0x3000, s2;
	v2 =	vmul.f32 v60, v0  }
0xcf: {  	s2 =	sor.u32 @!p0 s6, s2;
	[tilespmem:s24+$0x10000] =	vst v62;
	v3 =	vmul.f32 v61, v0  }
0xd0: {  	[tilespmem:s0+$0x10000] =	vst v2;
	s0 =	sor.u32 @!p0 s5, s2;
	v63 =	vmul.f32 v1, v0  }
0xd1: {  	s20 =	sadd.s32 $0x1, s20;
	[tilespmem:s25+$0x10000] =	vst v3;
	s0 =	sshll.u32 @!p0 s0, $0x8  }
0xd2: {  	s6 =	simm.s32 @!p0 $0x8000;
	s2 =	simm.s32 @!p0 $0x0;
	s0 =	sadd.s32 @!p0 s1, s0;
	[tilespmem:s29+$0x10000] =	vst v63  }
0xd3: {  	[tilespmem:s6], [sflag:$0x3] =	stream.linear.gather @!p0 [hbm4b:s0+s2], $0x4000, $0x38;
	[tilespmem:$0x14000] =	vst v63  }
0xd4: {  	p0 =	sne.s32 s20, $0x10  }
.Ltmp2:
0xd5: {  	_ = 	snop;
	(pc) =	sbr.rel @p0 .LBB2_2-.Ltmp2, $4  }
0xd6: {  	_ = 	snop  }
0xd7: {  	s31 =	sshll.u32 s22, $0x8  }
0xd8: {  	s0 =	sadd.s32 s3, s31  }
0xd9: {  	[hbm4b:s0+s4] =	stream.linear.scatter [tilespmem:s16], [sflag:$0x5], $0x4000, $0x38;
	[tilespmem:$0x14000] =	vst v63  }
0xda: {  	_ =	swait.ge [sflag:s17], $0x4000  }
0xdb: {  	[sflag:s17] =	ssyncset.done $0x0  }
0xdc: {  	[sflag:s17] =	ssyncadd.s32 $0xFFFFC000  }
0xdd: {  	_ =	swait.ge [sflag:s18], $0x4000  }
0xde: {  	s19 =	sadd.s32 $0x1, s19;
	s0 =	rddreg [dreg:$0x7]  }
0xdf: {  	p0 =	sne.s32 s19, s0  }
.Ltmp3:
0xe0: {  	_ = 	snop;
	(pc) =	sbr.rel @p0 .LBB2_1-.Ltmp3, $3  }
0xe1: {  	_ =	sdelay $0x1  }
0xe2: {  	[sflag:s18] =	ssyncset.done $0x0  }
0xe3: {  	[sflag:s18] =	ssyncadd.s32 $0xFFFFC000  }
0xe4: {  	_ =	sfence.sel $0x180000  }
0xe5: {  	[bflag:$0x0] =	sbarrier.arrive $0xFFFF  }
0xe6: {  	_ =	strace $0x90000047  }
0xe7: {  	s0 =	stileid.u32;
	[bflag:$0x2] =	sbarrier.arrive $0xFFFF  }
0xe8: {  	p0 =	sne.s32 s0, $0x0;
	s0 =	rddreg [dreg:$0x3]  }
0xe9: {  	s0 =	sadd.s32 @!p0 $0x100000, s0  }
0xea: {  	[sflag:s0] =	ssyncadd.tile.s32 @!p0 $0x1;
	_ =	shalt  }
.Lfunc_end2:
_tile_overlayer_lowered:
.L_overlay_start_2:
0xeb: {  	(tag) =	ssettag $0x2  }
0xec: {  	s0 =	rddreg [dreg:$0x0];
	s2 =	stileid.u32  }
0xed: {  	s1 =	rddreg [dreg:$0x1];
	p0 =	sne.s32 s2, $0x0  }
0xee: {  	s3 =	rddreg [dreg:$0x2];
	[bflag:$0x3] =	sbarrier.arrive $0xFFFF;
	s2 =	simm.s32 @!p0 $0x1C06  }
0xef: {  	[timem:s3], [sflag:s2] =	dma.local @!p0 [hbm:s0], s1  }
0xf0: {  	s0 =	simm.s32 @!p0 $0x6  }
0xf1: {  	_ =	swait.ge @!p0 [sflag:s0], s1  }
0xf2: {  	s1 =	ssub.s32 @!p0 $0x0, s1;
	[sflag:s0] =	ssyncset.done @!p0 $0x0  }
0xf3: {  	[sflag:s0] =	ssyncadd.s32 @!p0 s1  }
0xf4: {  	[bflag:$0x3] =	sbarrier.arrive $0xFFFF  }
0xf5: {  	_ =	shalt  }

</sc_bundles>
